<compile_context>
chip_gen: v7x
topology: tpu7x:2x2x1
jax: 0.10.2.dev20260603
libtpu: 0.0.44.dev20260713+nightly
codegen_flags: <defaults>
</compile_context>

<pallas_src>
import functools

import jax
import jax.numpy as jnp
from jax import lax
from jax.experimental import pallas as pl
from jax.experimental.pallas import tpu as pltpu
from jax.experimental.pallas import tpu_sc as plsc

N_WORKERS = 32
NBUF = 4
LOOK = 2
PADW = 128
PADH = 208


def _make_gather(batch: int, hist: int):
    rows_per_w = batch // N_WORKERS
    n_sup = rows_per_w // NBUF
    mesh = plsc.VectorSubcoreMesh(core_axis_name="c", subcore_axis_name="s")

    @functools.partial(
        pl.kernel,
        mesh=mesh,
        out_type=jax.ShapeDtypeStruct((batch, PADH, PADW), jnp.float32),
        compiler_params=pltpu.CompilerParams(use_tc_tiling_on_sc=False),
        scratch_types=[
            pltpu.VMEM((rows_per_w, hist), jnp.int32),
            pltpu.VMEM((NBUF, hist, PADW), jnp.float32),
            pltpu.SemaphoreType.DMA((NBUF,)),
            pltpu.SemaphoreType.DMA((NBUF,)),
        ],
    )
    def gather_kernel(table_hbm, idx_hbm, out_hbm, idx_v, rows_v, gsem, ssem):
        wid = lax.axis_index("s") * 2 + lax.axis_index("c")
        base = wid * rows_per_w
        pltpu.sync_copy(idx_hbm.at[pl.ds(base, rows_per_w)], idx_v)

        def g_start(j, b):
            pltpu.async_copy(
                table_hbm.at[idx_v.at[j]], rows_v.at[b], gsem.at[b]
            )

        def g_wait(b):
            pltpu.make_async_copy(
                table_hbm.at[idx_v.at[0]], rows_v.at[b], gsem.at[b]
            ).wait()

        def s_start(j, b):
            pltpu.async_copy(
                rows_v.at[b],
                out_hbm.at[base + j, pl.ds(0, hist)],
                ssem.at[b],
            )

        def s_wait(b):
            pltpu.make_async_copy(
                rows_v.at[b],
                out_hbm.at[base, pl.ds(0, hist)],
                ssem.at[b],
            ).wait()

        for b in range(LOOK):
            g_start(b, b)

        def super_body(s, carry):
            for b in range(NBUF):
                j = s * NBUF + b
                g_wait(b)
                s_start(j, b)
                jn = j + LOOK
                bn = (b + LOOK) % NBUF

                @pl.when(jn < rows_per_w)
                def _():
                    @pl.when(jn >= NBUF)
                    def _():
                        s_wait(bn)

                    g_start(jn, bn)

            return carry

        lax.fori_loop(0, n_sup, super_body, 0)

        for b in range(NBUF):
            s_wait(b)

    return gather_kernel


def kernel(input, table):
    b, h = input.shape
    v, d = table.shape
    table_p = jnp.pad(table, ((0, 0), (0, PADW - d)))
    out_p = _make_gather(b, h)(table_p, input)
    return out_p[:, :h, :d]

# --- scband reference (transcript-rebuilt; emitter-appended) ---
"""Pipeline reference for scband-token-embedding-32315333935611 (READ-ONLY COPY).

The authoritative reference and input builder live on the scoring server;
editing this copy changes nothing except your own understanding.
"""

import jax, jax.numpy as jnp
import numpy as np

VOCAB = 1000000
D_MODEL = 64
BATCH = 4096
HIST = 200

def setup_inputs(seed: int = 0) -> dict:
    key = jax.random.key(seed)
    k_idx, k_tab = jax.random.split(key)
    indices = jax.random.randint(k_idx, (BATCH, HIST), 0, VOCAB)
    table = jax.random.normal(k_tab, (VOCAB, D_MODEL), dtype=jnp.float32)
    # padding_idx=0: row 0 initialized to zeros (as in nn.Embedding with padding_idx)
    table = table.at[0].set(0.0)
    return {"input": indices, "table": table}

def reference(input, table):
    # nn.Embedding forward: pure row gather from the embedding table
    return jnp.take(table, input, axis=0)

if __name__ == "__main__":
    import jax
    _d = setup_inputs()
    print(jax.jit(kernel)(*tuple(_d.values())))

</pallas_src>

<mosaic_0001>
#map = affine_map<(d0, d1) -> (0, 0)>
#map1 = affine_map<(d0, d1) -> (0, 0, 0)>
module attributes {stable_mosaic.version = 14 : i64} {
  func.func @gather_kernel(%arg0: i32, %arg1: i32, %arg2: memref<1000000x128xf32, #tpu.memory_space<hbm>>, %arg3: memref<4096x200xi32, #tpu.memory_space<hbm>>, %arg4: memref<4096x208x128xf32, #tpu.memory_space<hbm>>, %arg5: memref<128x200xi32, #tpu.memory_space<vmem>>, %arg6: memref<4x200x128xf32, #tpu.memory_space<vmem>>, %arg7: memref<4x!tpu.dma_semaphore, #tpu.memory_space<semaphore_mem>>, %arg8: memref<4x!tpu.dma_semaphore, #tpu.memory_space<semaphore_mem>>) attributes {dimension_semantics = [#tpu.dimension_semantics<core_parallel>, #tpu.dimension_semantics<subcore_parallel>], iteration_bounds = array<i64: 2, 16>, scalar_prefetch = 0 : i64, scratch_operands = 4 : i64, tpu.core_type = #tpu.core_type<sc_vector_subcore>, window_params = [{transform_indices = #map}, {transform_indices = #map}, {transform_indices = #map1}]} {
    %mul3A = arith.constant 2 : i32
    %mul3A_0 = arith.muli %arg1, %mul3A : i32
    %add3A = arith.addi %mul3A_0, %arg0 : i32
    %mul3A_1 = arith.constant 128 : i32
    %mul3A_2 = arith.muli %add3A, %mul3A_1 : i32
    "tpu.region"() ({
      %run_scoped3A = tpu.sem_alloc : memref<!tpu.dma_semaphore, #tpu.memory_space<semaphore_mem>>
      %dma_start3A_116 = arith.constant 0 : i32
      %dma_start3A_117 = tpu.memref_slice %arg3[%mul3A_2, %dma_start3A_116] : memref<4096x200xi32, #tpu.memory_space<hbm>> -> memref<128x200xi32, #tpu.memory_space<hbm>>
      %dma_start3A_118 = arith.constant 0 : i32
      %dma_start3A_119 = tpu.memref_slice %arg3[%mul3A_2, %dma_start3A_118] : memref<4096x200xi32, #tpu.memory_space<hbm>> -> memref<128x200xi32, #tpu.memory_space<hbm>>
      tpu.enqueue_dma source(%dma_start3A_119 : memref<128x200xi32, #tpu.memory_space<hbm>>) target(%arg5 : memref<128x200xi32, #tpu.memory_space<vmem>>) target_semaphore(%run_scoped3A : memref<!tpu.dma_semaphore, #tpu.memory_space<semaphore_mem>>)
      %dma_wait3A_120 = arith.constant 0 : i32
      %dma_wait3A_121 = tpu.memref_slice %arg3[%mul3A_2, %dma_wait3A_120] : memref<4096x200xi32, #tpu.memory_space<hbm>> -> memref<128x200xi32, #tpu.memory_space<hbm>>
      %dma_wait3A_122 = arith.constant 0 : i32
      %dma_wait3A_123 = tpu.memref_slice %arg3[%mul3A_2, %dma_wait3A_122] : memref<4096x200xi32, #tpu.memory_space<hbm>> -> memref<128x200xi32, #tpu.memory_space<hbm>>
      tpu.wait_dma2 semaphore(%run_scoped3A : memref<!tpu.dma_semaphore, #tpu.memory_space<semaphore_mem>>) src(%dma_wait3A_123 : memref<128x200xi32, #tpu.memory_space<hbm>>) dst(%arg5 : memref<128x200xi32, #tpu.memory_space<vmem>>)
      tpu.yield
    }) : () -> ()
    %dma_start3A = arith.constant 0 : i32
    %dma_start3A_3 = arith.constant 0 : i32
    %dma_start3A_4 = arith.constant 0 : i32
    %dma_start3A_5 = arith.constant 0 : i32
    %dma_start3A_6 = arith.constant 0 : i32
    %dma_start3A_7 = tpu.memref_slice %arg6[%dma_start3A_3, %dma_start3A_5, %dma_start3A_6] : memref<4x200x128xf32, #tpu.memory_space<vmem>> -> memref<1x200x128xf32, #tpu.memory_space<vmem>>
    %dma_start3A_8 = tpu.memref_squeeze %dma_start3A_7 : memref<1x200x128xf32, #tpu.memory_space<vmem>> -> memref<200x128xf32, #tpu.memory_space<vmem>>
    %dma_start3A_9 = arith.constant 0 : i32
    %dma_start3A_10 = tpu.memref_slice %arg5[%dma_start3A, %dma_start3A_9] : memref<128x200xi32, #tpu.memory_space<vmem>> -> memref<1x200xi32, #tpu.memory_space<vmem>>
    %dma_start3A_11 = tpu.memref_squeeze %dma_start3A_10 : memref<1x200xi32, #tpu.memory_space<vmem>> -> memref<200xi32, #tpu.memory_space<vmem>>
    %dma_start3A_12 = arith.constant 0 : i32
    %dma_start3A_13 = arith.constant 0 : i32
    %dma_start3A_14 = tpu.memref_slice %arg2[%dma_start3A_12, %dma_start3A_13] : memref<1000000x128xf32, #tpu.memory_space<hbm>> -> memref<1000000x128xf32, #tpu.memory_space<hbm>>
    %dma_start3A_15 = tpu.memref_slice %arg7[%dma_start3A_4] : memref<4x!tpu.dma_semaphore, #tpu.memory_space<semaphore_mem>> -> memref<1x!tpu.dma_semaphore, #tpu.memory_space<semaphore_mem>>
    %dma_start3A_16 = tpu.memref_squeeze %dma_start3A_15 : memref<1x!tpu.dma_semaphore, #tpu.memory_space<semaphore_mem>> -> memref<!tpu.dma_semaphore, #tpu.memory_space<semaphore_mem>>
    tpu.enqueue_indirect_dma source(%dma_start3A_14 : memref<1000000x128xf32, #tpu.memory_space<hbm>>) target(%dma_start3A_8 : memref<200x128xf32, #tpu.memory_space<vmem>>) offsets(%dma_start3A_11 : memref<200xi32, #tpu.memory_space<vmem>>) semaphore(%dma_start3A_16 : memref<!tpu.dma_semaphore, #tpu.memory_space<semaphore_mem>>)
    %dma_start3A_17 = arith.constant 1 : i32
    %dma_start3A_18 = arith.constant 1 : i32
    %dma_start3A_19 = arith.constant 1 : i32
    %dma_start3A_20 = arith.constant 0 : i32
    %dma_start3A_21 = arith.constant 0 : i32
    %dma_start3A_22 = tpu.memref_slice %arg6[%dma_start3A_18, %dma_start3A_20, %dma_start3A_21] : memref<4x200x128xf32, #tpu.memory_space<vmem>> -> memref<1x200x128xf32, #tpu.memory_space<vmem>>
    %dma_start3A_23 = tpu.memref_squeeze %dma_start3A_22 : memref<1x200x128xf32, #tpu.memory_space<vmem>> -> memref<200x128xf32, #tpu.memory_space<vmem>>
    %dma_start3A_24 = arith.constant 0 : i32
    %dma_start3A_25 = tpu.memref_slice %arg5[%dma_start3A_17, %dma_start3A_24] : memref<128x200xi32, #tpu.memory_space<vmem>> -> memref<1x200xi32, #tpu.memory_space<vmem>>
    %dma_start3A_26 = tpu.memref_squeeze %dma_start3A_25 : memref<1x200xi32, #tpu.memory_space<vmem>> -> memref<200xi32, #tpu.memory_space<vmem>>
    %dma_start3A_27 = arith.constant 0 : i32
    %dma_start3A_28 = arith.constant 0 : i32
    %dma_start3A_29 = tpu.memref_slice %arg2[%dma_start3A_27, %dma_start3A_28] : memref<1000000x128xf32, #tpu.memory_space<hbm>> -> memref<1000000x128xf32, #tpu.memory_space<hbm>>
    %dma_start3A_30 = tpu.memref_slice %arg7[%dma_start3A_19] : memref<4x!tpu.dma_semaphore, #tpu.memory_space<semaphore_mem>> -> memref<1x!tpu.dma_semaphore, #tpu.memory_space<semaphore_mem>>
    %dma_start3A_31 = tpu.memref_squeeze %dma_start3A_30 : memref<1x!tpu.dma_semaphore, #tpu.memory_space<semaphore_mem>> -> memref<!tpu.dma_semaphore, #tpu.memory_space<semaphore_mem>>
    tpu.enqueue_indirect_dma source(%dma_start3A_29 : memref<1000000x128xf32, #tpu.memory_space<hbm>>) target(%dma_start3A_23 : memref<200x128xf32, #tpu.memory_space<vmem>>) offsets(%dma_start3A_26 : memref<200xi32, #tpu.memory_space<vmem>>) semaphore(%dma_start3A_31 : memref<!tpu.dma_semaphore, #tpu.memory_space<semaphore_mem>>)
    %scan3A = arith.constant 0 : i32
    %scan3A_32 = arith.constant 0 : i32
    %scan3A_33 = arith.constant 32 : i32
    %scan3A_34 = arith.addi %scan3A_32, %scan3A_33 : i32
    %scan3A_35 = arith.constant 1 : i32
    scf.for %scan3A_116 = %scan3A_32 to %scan3A_34 step %scan3A_35  : i32 {
      %mul3A_117 = arith.constant 4 : i32
      %mul3A_118 = arith.muli %scan3A_116, %mul3A_117 : i32
      %add3A_119 = arith.constant 0 : i32
      %add3A_120 = arith.addi %mul3A_118, %add3A_119 : i32
      %dma_wait3A_121 = arith.constant 0 : i32
      %dma_wait3A_122 = arith.constant 0 : i32
      %dma_wait3A_123 = arith.constant 0 : i32
      %dma_wait3A_124 = arith.constant 0 : i32
      %dma_wait3A_125 = arith.constant 0 : i32
      %dma_wait3A_126 = tpu.memref_slice %arg6[%dma_wait3A_122, %dma_wait3A_124, %dma_wait3A_125] : memref<4x200x128xf32, #tpu.memory_space<vmem>> -> memref<1x200x128xf32, #tpu.memory_space<vmem>>
      %dma_wait3A_127 = tpu.memref_squeeze %dma_wait3A_126 : memref<1x200x128xf32, #tpu.memory_space<vmem>> -> memref<200x128xf32, #tpu.memory_space<vmem>>
      %dma_wait3A_128 = arith.constant 0 : i32
      %dma_wait3A_129 = tpu.memref_slice %arg5[%dma_wait3A_121, %dma_wait3A_128] : memref<128x200xi32, #tpu.memory_space<vmem>> -> memref<1x200xi32, #tpu.memory_space<vmem>>
      %dma_wait3A_130 = tpu.memref_squeeze %dma_wait3A_129 : memref<1x200xi32, #tpu.memory_space<vmem>> -> memref<200xi32, #tpu.memory_space<vmem>>
      %dma_wait3A_131 = arith.constant 0 : i32
      %dma_wait3A_132 = arith.constant 0 : i32
      %dma_wait3A_133 = tpu.memref_slice %arg2[%dma_wait3A_131, %dma_wait3A_132] : memref<1000000x128xf32, #tpu.memory_space<hbm>> -> memref<1000000x128xf32, #tpu.memory_space<hbm>>
      %dma_wait3A_134 = tpu.memref_slice %arg7[%dma_wait3A_123] : memref<4x!tpu.dma_semaphore, #tpu.memory_space<semaphore_mem>> -> memref<1x!tpu.dma_semaphore, #tpu.memory_space<semaphore_mem>>
      %dma_wait3A_135 = tpu.memref_squeeze %dma_wait3A_134 : memref<1x!tpu.dma_semaphore, #tpu.memory_space<semaphore_mem>> -> memref<!tpu.dma_semaphore, #tpu.memory_space<semaphore_mem>>
      tpu.wait_indirect_dma semaphore(%dma_wait3A_135 : memref<!tpu.dma_semaphore, #tpu.memory_space<semaphore_mem>>) src(%dma_wait3A_133 : memref<1000000x128xf32, #tpu.memory_space<hbm>>) dst(%dma_wait3A_127 : memref<200x128xf32, #tpu.memory_space<vmem>>)
      %add3A_136 = arith.addi %mul3A_2, %add3A_120 : i32
      %dma_start3A_137 = arith.constant 0 : i32
      %dma_start3A_138 = arith.constant 0 : i32
      %dma_start3A_139 = arith.constant 0 : i32
      %dma_start3A_140 = arith.constant 0 : i32
      %dma_start3A_141 = tpu.memref_slice %arg6[%dma_start3A_137, %dma_start3A_139, %dma_start3A_140] : memref<4x200x128xf32, #tpu.memory_space<vmem>> -> memref<1x200x128xf32, #tpu.memory_space<vmem>>
      %dma_start3A_142 = tpu.memref_squeeze %dma_start3A_141 : memref<1x200x128xf32, #tpu.memory_space<vmem>> -> memref<200x128xf32, #tpu.memory_space<vmem>>
      %dma_start3A_143 = arith.constant 0 : i32
      %dma_start3A_144 = arith.constant 0 : i32
      %dma_start3A_145 = tpu.memref_slice %arg4[%add3A_136, %dma_start3A_143, %dma_start3A_144] : memref<4096x208x128xf32, #tpu.memory_space<hbm>> -> memref<1x200x128xf32, #tpu.memory_space<hbm>>
      %dma_start3A_146 = tpu.memref_squeeze %dma_start3A_145 : memref<1x200x128xf32, #tpu.memory_space<hbm>> -> memref<200x128xf32, #tpu.memory_space<hbm>>
      %dma_start3A_147 = tpu.memref_slice %arg8[%dma_start3A_138] : memref<4x!tpu.dma_semaphore, #tpu.memory_space<semaphore_mem>> -> memref<1x!tpu.dma_semaphore, #tpu.memory_space<semaphore_mem>>
      %dma_start3A_148 = tpu.memref_squeeze %dma_start3A_147 : memref<1x!tpu.dma_semaphore, #tpu.memory_space<semaphore_mem>> -> memref<!tpu.dma_semaphore, #tpu.memory_space<semaphore_mem>>
      %dma_start3A_149 = arith.constant 0 : i32
      %dma_start3A_150 = arith.constant 0 : i32
      %dma_start3A_151 = tpu.memref_slice %arg4[%add3A_136, %dma_start3A_149, %dma_start3A_150] : memref<4096x208x128xf32, #tpu.memory_space<hbm>> -> memref<1x200x128xf32, #tpu.memory_space<hbm>>
      %dma_start3A_152 = tpu.memref_squeeze %dma_start3A_151 : memref<1x200x128xf32, #tpu.memory_space<hbm>> -> memref<200x128xf32, #tpu.memory_space<hbm>>
      %dma_start3A_153 = arith.constant 0 : i32
      %dma_start3A_154 = arith.constant 0 : i32
      %dma_start3A_155 = tpu.memref_slice %arg6[%dma_start3A_137, %dma_start3A_153, %dma_start3A_154] : memref<4x200x128xf32, #tpu.memory_space<vmem>> -> memref<1x200x128xf32, #tpu.memory_space<vmem>>
      %dma_start3A_156 = tpu.memref_squeeze %dma_start3A_155 : memref<1x200x128xf32, #tpu.memory_space<vmem>> -> memref<200x128xf32, #tpu.memory_space<vmem>>
      tpu.enqueue_dma source(%dma_start3A_156 : memref<200x128xf32, #tpu.memory_space<vmem>>) target(%dma_start3A_152 : memref<200x128xf32, #tpu.memory_space<hbm>>) target_semaphore(%dma_start3A_148 : memref<!tpu.dma_semaphore, #tpu.memory_space<semaphore_mem>>)
      %add3A_157 = arith.constant 2 : i32
      %add3A_158 = arith.addi %add3A_120, %add3A_157 : i32
      %lt3A = arith.constant 128 : i32
      %lt3A_159 = arith.cmpi slt, %add3A_158, %lt3A : i32
      %convert_element_type3A = arith.extui %lt3A_159 : i1 to i32
      %cond3A = arith.constant 0 : i32
      %cond3A_160 = arith.cmpi ne, %convert_element_type3A, %cond3A : i32
      scf.if %cond3A_160 {
        %ge3A = arith.constant 4 : i32
        %ge3A_302 = arith.cmpi sge, %add3A_158, %ge3A : i32
        %convert_element_type3A_303 = arith.extui %ge3A_302 : i1 to i32
        %cond3A_304 = arith.constant 0 : i32
        %cond3A_305 = arith.cmpi ne, %convert_element_type3A_303, %cond3A_304 : i32
        scf.if %cond3A_305 {
          %dma_wait3A_320 = arith.constant 2 : i32
          %dma_wait3A_321 = arith.constant 2 : i32
          %dma_wait3A_322 = arith.constant 0 : i32
          %dma_wait3A_323 = arith.constant 0 : i32
          %dma_wait3A_324 = tpu.memref_slice %arg6[%dma_wait3A_320, %dma_wait3A_322, %dma_wait3A_323] : memref<4x200x128xf32, #tpu.memory_space<vmem>> -> memref<1x200x128xf32, #tpu.memory_space<vmem>>
          %dma_wait3A_325 = tpu.memref_squeeze %dma_wait3A_324 : memref<1x200x128xf32, #tpu.memory_space<vmem>> -> memref<200x128xf32, #tpu.memory_space<vmem>>
          %dma_wait3A_326 = arith.constant 0 : i32
          %dma_wait3A_327 = arith.constant 0 : i32
          %dma_wait3A_328 = tpu.memref_slice %arg4[%mul3A_2, %dma_wait3A_326, %dma_wait3A_327] : memref<4096x208x128xf32, #tpu.memory_space<hbm>> -> memref<1x200x128xf32, #tpu.memory_space<hbm>>
          %dma_wait3A_329 = tpu.memref_squeeze %dma_wait3A_328 : memref<1x200x128xf32, #tpu.memory_space<hbm>> -> memref<200x128xf32, #tpu.memory_space<hbm>>
          %dma_wait3A_330 = tpu.memref_slice %arg8[%dma_wait3A_321] : memref<4x!tpu.dma_semaphore, #tpu.memory_space<semaphore_mem>> -> memref<1x!tpu.dma_semaphore, #tpu.memory_space<semaphore_mem>>
          %dma_wait3A_331 = tpu.memref_squeeze %dma_wait3A_330 : memref<1x!tpu.dma_semaphore, #tpu.memory_space<semaphore_mem>> -> memref<!tpu.dma_semaphore, #tpu.memory_space<semaphore_mem>>
          %dma_wait3A_332 = arith.constant 0 : i32
          %dma_wait3A_333 = arith.constant 0 : i32
          %dma_wait3A_334 = tpu.memref_slice %arg4[%mul3A_2, %dma_wait3A_332, %dma_wait3A_333] : memref<4096x208x128xf32, #tpu.memory_space<hbm>> -> memref<1x200x128xf32, #tpu.memory_space<hbm>>
          %dma_wait3A_335 = tpu.memref_squeeze %dma_wait3A_334 : memref<1x200x128xf32, #tpu.memory_space<hbm>> -> memref<200x128xf32, #tpu.memory_space<hbm>>
          %dma_wait3A_336 = arith.constant 0 : i32
          %dma_wait3A_337 = arith.constant 0 : i32
          %dma_wait3A_338 = tpu.memref_slice %arg6[%dma_wait3A_320, %dma_wait3A_336, %dma_wait3A_337] : memref<4x200x128xf32, #tpu.memory_space<vmem>> -> memref<1x200x128xf32, #tpu.memory_space<vmem>>
          %dma_wait3A_339 = tpu.memref_squeeze %dma_wait3A_338 : memref<1x200x128xf32, #tpu.memory_space<vmem>> -> memref<200x128xf32, #tpu.memory_space<vmem>>
          tpu.wait_dma2 semaphore(%dma_wait3A_331 : memref<!tpu.dma_semaphore, #tpu.memory_space<semaphore_mem>>) src(%dma_wait3A_339 : memref<200x128xf32, #tpu.memory_space<vmem>>) dst(%dma_wait3A_335 : memref<200x128xf32, #tpu.memory_space<hbm>>)
        } else {
        }
        %dma_start3A_306 = arith.constant 2 : i32
        %dma_start3A_307 = arith.constant 2 : i32
        %dma_start3A_308 = arith.constant 0 : i32
        %dma_start3A_309 = arith.constant 0 : i32
        %dma_start3A_310 = tpu.memref_slice %arg6[%dma_start3A_306, %dma_start3A_308, %dma_start3A_309] : memref<4x200x128xf32, #tpu.memory_space<vmem>> -> memref<1x200x128xf32, #tpu.memory_space<vmem>>
        %dma_start3A_311 = tpu.memref_squeeze %dma_start3A_310 : memref<1x200x128xf32, #tpu.memory_space<vmem>> -> memref<200x128xf32, #tpu.memory_space<vmem>>
        %dma_start3A_312 = arith.constant 0 : i32
        %dma_start3A_313 = tpu.memref_slice %arg5[%add3A_158, %dma_start3A_312] : memref<128x200xi32, #tpu.memory_space<vmem>> -> memref<1x200xi32, #tpu.memory_space<vmem>>
        %dma_start3A_314 = tpu.memref_squeeze %dma_start3A_313 : memref<1x200xi32, #tpu.memory_space<vmem>> -> memref<200xi32, #tpu.memory_space<vmem>>
        %dma_start3A_315 = arith.constant 0 : i32
        %dma_start3A_316 = arith.constant 0 : i32
        %dma_start3A_317 = tpu.memref_slice %arg2[%dma_start3A_315, %dma_start3A_316] : memref<1000000x128xf32, #tpu.memory_space<hbm>> -> memref<1000000x128xf32, #tpu.memory_space<hbm>>
        %dma_start3A_318 = tpu.memref_slice %arg7[%dma_start3A_307] : memref<4x!tpu.dma_semaphore, #tpu.memory_space<semaphore_mem>> -> memref<1x!tpu.dma_semaphore, #tpu.memory_space<semaphore_mem>>
        %dma_start3A_319 = tpu.memref_squeeze %dma_start3A_318 : memref<1x!tpu.dma_semaphore, #tpu.memory_space<semaphore_mem>> -> memref<!tpu.dma_semaphore, #tpu.memory_space<semaphore_mem>>
        tpu.enqueue_indirect_dma source(%dma_start3A_317 : memref<1000000x128xf32, #tpu.memory_space<hbm>>) target(%dma_start3A_311 : memref<200x128xf32, #tpu.memory_space<vmem>>) offsets(%dma_start3A_314 : memref<200xi32, #tpu.memory_space<vmem>>) semaphore(%dma_start3A_319 : memref<!tpu.dma_semaphore, #tpu.memory_space<semaphore_mem>>)
      } else {
      }
      %mul3A_161 = arith.constant 4 : i32
      %mul3A_162 = arith.muli %scan3A_116, %mul3A_161 : i32
      %add3A_163 = arith.constant 1 : i32
      %add3A_164 = arith.addi %mul3A_162, %add3A_163 : i32
      %dma_wait3A_165 = arith.constant 0 : i32
      %dma_wait3A_166 = arith.constant 1 : i32
      %dma_wait3A_167 = arith.constant 1 : i32
      %dma_wait3A_168 = arith.constant 0 : i32
      %dma_wait3A_169 = arith.constant 0 : i32
      %dma_wait3A_170 = tpu.memref_slice %arg6[%dma_wait3A_166, %dma_wait3A_168, %dma_wait3A_169] : memref<4x200x128xf32, #tpu.memory_space<vmem>> -> memref<1x200x128xf32, #tpu.memory_space<vmem>>
      %dma_wait3A_171 = tpu.memref_squeeze %dma_wait3A_170 : memref<1x200x128xf32, #tpu.memory_space<vmem>> -> memref<200x128xf32, #tpu.memory_space<vmem>>
      %dma_wait3A_172 = arith.constant 0 : i32
      %dma_wait3A_173 = tpu.memref_slice %arg5[%dma_wait3A_165, %dma_wait3A_172] : memref<128x200xi32, #tpu.memory_space<vmem>> -> memref<1x200xi32, #tpu.memory_space<vmem>>
      %dma_wait3A_174 = tpu.memref_squeeze %dma_wait3A_173 : memref<1x200xi32, #tpu.memory_space<vmem>> -> memref<200xi32, #tpu.memory_space<vmem>>
      %dma_wait3A_175 = arith.constant 0 : i32
      %dma_wait3A_176 = arith.constant 0 : i32
      %dma_wait3A_177 = tpu.memref_slice %arg2[%dma_wait3A_175, %dma_wait3A_176] : memref<1000000x128xf32, #tpu.memory_space<hbm>> -> memref<1000000x128xf32, #tpu.memory_space<hbm>>
      %dma_wait3A_178 = tpu.memref_slice %arg7[%dma_wait3A_167] : memref<4x!tpu.dma_semaphore, #tpu.memory_space<semaphore_mem>> -> memref<1x!tpu.dma_semaphore, #tpu.memory_space<semaphore_mem>>
      %dma_wait3A_179 = tpu.memref_squeeze %dma_wait3A_178 : memref<1x!tpu.dma_semaphore, #tpu.memory_space<semaphore_mem>> -> memref<!tpu.dma_semaphore, #tpu.memory_space<semaphore_mem>>
      tpu.wait_indirect_dma semaphore(%dma_wait3A_179 : memref<!tpu.dma_semaphore, #tpu.memory_space<semaphore_mem>>) src(%dma_wait3A_177 : memref<1000000x128xf32, #tpu.memory_space<hbm>>) dst(%dma_wait3A_171 : memref<200x128xf32, #tpu.memory_space<vmem>>)
      %add3A_180 = arith.addi %mul3A_2, %add3A_164 : i32
      %dma_start3A_181 = arith.constant 1 : i32
      %dma_start3A_182 = arith.constant 1 : i32
      %dma_start3A_183 = arith.constant 0 : i32
      %dma_start3A_184 = arith.constant 0 : i32
      %dma_start3A_185 = tpu.memref_slice %arg6[%dma_start3A_181, %dma_start3A_183, %dma_start3A_184] : memref<4x200x128xf32, #tpu.memory_space<vmem>> -> memref<1x200x128xf32, #tpu.memory_space<vmem>>
      %dma_start3A_186 = tpu.memref_squeeze %dma_start3A_185 : memref<1x200x128xf32, #tpu.memory_space<vmem>> -> memref<200x128xf32, #tpu.memory_space<vmem>>
      %dma_start3A_187 = arith.constant 0 : i32
      %dma_start3A_188 = arith.constant 0 : i32
      %dma_start3A_189 = tpu.memref_slice %arg4[%add3A_180, %dma_start3A_187, %dma_start3A_188] : memref<4096x208x128xf32, #tpu.memory_space<hbm>> -> memref<1x200x128xf32, #tpu.memory_space<hbm>>
      %dma_start3A_190 = tpu.memref_squeeze %dma_start3A_189 : memref<1x200x128xf32, #tpu.memory_space<hbm>> -> memref<200x128xf32, #tpu.memory_space<hbm>>
      %dma_start3A_191 = tpu.memref_slice %arg8[%dma_start3A_182] : memref<4x!tpu.dma_semaphore, #tpu.memory_space<semaphore_mem>> -> memref<1x!tpu.dma_semaphore, #tpu.memory_space<semaphore_mem>>
      %dma_start3A_192 = tpu.memref_squeeze %dma_start3A_191 : memref<1x!tpu.dma_semaphore, #tpu.memory_space<semaphore_mem>> -> memref<!tpu.dma_semaphore, #tpu.memory_space<semaphore_mem>>
      %dma_start3A_193 = arith.constant 0 : i32
      %dma_start3A_194 = arith.constant 0 : i32
      %dma_start3A_195 = tpu.memref_slice %arg4[%add3A_180, %dma_start3A_193, %dma_start3A_194] : memref<4096x208x128xf32, #tpu.memory_space<hbm>> -> memref<1x200x128xf32, #tpu.memory_space<hbm>>
      %dma_start3A_196 = tpu.memref_squeeze %dma_start3A_195 : memref<1x200x128xf32, #tpu.memory_space<hbm>> -> memref<200x128xf32, #tpu.memory_space<hbm>>
      %dma_start3A_197 = arith.constant 0 : i32
      %dma_start3A_198 = arith.constant 0 : i32
      %dma_start3A_199 = tpu.memref_slice %arg6[%dma_start3A_181, %dma_start3A_197, %dma_start3A_198] : memref<4x200x128xf32, #tpu.memory_space<vmem>> -> memref<1x200x128xf32, #tpu.memory_space<vmem>>
      %dma_start3A_200 = tpu.memref_squeeze %dma_start3A_199 : memref<1x200x128xf32, #tpu.memory_space<vmem>> -> memref<200x128xf32, #tpu.memory_space<vmem>>
      tpu.enqueue_dma source(%dma_start3A_200 : memref<200x128xf32, #tpu.memory_space<vmem>>) target(%dma_start3A_196 : memref<200x128xf32, #tpu.memory_space<hbm>>) target_semaphore(%dma_start3A_192 : memref<!tpu.dma_semaphore, #tpu.memory_space<semaphore_mem>>)
      %add3A_201 = arith.constant 2 : i32
      %add3A_202 = arith.addi %add3A_164, %add3A_201 : i32
      %lt3A_203 = arith.constant 128 : i32
      %lt3A_204 = arith.cmpi slt, %add3A_202, %lt3A_203 : i32
      %convert_element_type3A_205 = arith.extui %lt3A_204 : i1 to i32
      %cond3A_206 = arith.constant 0 : i32
      %cond3A_207 = arith.cmpi ne, %convert_element_type3A_205, %cond3A_206 : i32
      scf.if %cond3A_207 {
        %ge3A = arith.constant 4 : i32
        %ge3A_302 = arith.cmpi sge, %add3A_202, %ge3A : i32
        %convert_element_type3A_303 = arith.extui %ge3A_302 : i1 to i32
        %cond3A_304 = arith.constant 0 : i32
        %cond3A_305 = arith.cmpi ne, %convert_element_type3A_303, %cond3A_304 : i32
        scf.if %cond3A_305 {
          %dma_wait3A_320 = arith.constant 3 : i32
          %dma_wait3A_321 = arith.constant 3 : i32
          %dma_wait3A_322 = arith.constant 0 : i32
          %dma_wait3A_323 = arith.constant 0 : i32
          %dma_wait3A_324 = tpu.memref_slice %arg6[%dma_wait3A_320, %dma_wait3A_322, %dma_wait3A_323] : memref<4x200x128xf32, #tpu.memory_space<vmem>> -> memref<1x200x128xf32, #tpu.memory_space<vmem>>
          %dma_wait3A_325 = tpu.memref_squeeze %dma_wait3A_324 : memref<1x200x128xf32, #tpu.memory_space<vmem>> -> memref<200x128xf32, #tpu.memory_space<vmem>>
          %dma_wait3A_326 = arith.constant 0 : i32
          %dma_wait3A_327 = arith.constant 0 : i32
          %dma_wait3A_328 = tpu.memref_slice %arg4[%mul3A_2, %dma_wait3A_326, %dma_wait3A_327] : memref<4096x208x128xf32, #tpu.memory_space<hbm>> -> memref<1x200x128xf32, #tpu.memory_space<hbm>>
          %dma_wait3A_329 = tpu.memref_squeeze %dma_wait3A_328 : memref<1x200x128xf32, #tpu.memory_space<hbm>> -> memref<200x128xf32, #tpu.memory_space<hbm>>
          %dma_wait3A_330 = tpu.memref_slice %arg8[%dma_wait3A_321] : memref<4x!tpu.dma_semaphore, #tpu.memory_space<semaphore_mem>> -> memref<1x!tpu.dma_semaphore, #tpu.memory_space<semaphore_mem>>
          %dma_wait3A_331 = tpu.memref_squeeze %dma_wait3A_330 : memref<1x!tpu.dma_semaphore, #tpu.memory_space<semaphore_mem>> -> memref<!tpu.dma_semaphore, #tpu.memory_space<semaphore_mem>>
          %dma_wait3A_332 = arith.constant 0 : i32
          %dma_wait3A_333 = arith.constant 0 : i32
          %dma_wait3A_334 = tpu.memref_slice %arg4[%mul3A_2, %dma_wait3A_332, %dma_wait3A_333] : memref<4096x208x128xf32, #tpu.memory_space<hbm>> -> memref<1x200x128xf32, #tpu.memory_space<hbm>>
          %dma_wait3A_335 = tpu.memref_squeeze %dma_wait3A_334 : memref<1x200x128xf32, #tpu.memory_space<hbm>> -> memref<200x128xf32, #tpu.memory_space<hbm>>
          %dma_wait3A_336 = arith.constant 0 : i32
          %dma_wait3A_337 = arith.constant 0 : i32
          %dma_wait3A_338 = tpu.memref_slice %arg6[%dma_wait3A_320, %dma_wait3A_336, %dma_wait3A_337] : memref<4x200x128xf32, #tpu.memory_space<vmem>> -> memref<1x200x128xf32, #tpu.memory_space<vmem>>
          %dma_wait3A_339 = tpu.memref_squeeze %dma_wait3A_338 : memref<1x200x128xf32, #tpu.memory_space<vmem>> -> memref<200x128xf32, #tpu.memory_space<vmem>>
          tpu.wait_dma2 semaphore(%dma_wait3A_331 : memref<!tpu.dma_semaphore, #tpu.memory_space<semaphore_mem>>) src(%dma_wait3A_339 : memref<200x128xf32, #tpu.memory_space<vmem>>) dst(%dma_wait3A_335 : memref<200x128xf32, #tpu.memory_space<hbm>>)
        } else {
        }
        %dma_start3A_306 = arith.constant 3 : i32
        %dma_start3A_307 = arith.constant 3 : i32
        %dma_start3A_308 = arith.constant 0 : i32
        %dma_start3A_309 = arith.constant 0 : i32
        %dma_start3A_310 = tpu.memref_slice %arg6[%dma_start3A_306, %dma_start3A_308, %dma_start3A_309] : memref<4x200x128xf32, #tpu.memory_space<vmem>> -> memref<1x200x128xf32, #tpu.memory_space<vmem>>
        %dma_start3A_311 = tpu.memref_squeeze %dma_start3A_310 : memref<1x200x128xf32, #tpu.memory_space<vmem>> -> memref<200x128xf32, #tpu.memory_space<vmem>>
        %dma_start3A_312 = arith.constant 0 : i32
        %dma_start3A_313 = tpu.memref_slice %arg5[%add3A_202, %dma_start3A_312] : memref<128x200xi32, #tpu.memory_space<vmem>> -> memref<1x200xi32, #tpu.memory_space<vmem>>
        %dma_start3A_314 = tpu.memref_squeeze %dma_start3A_313 : memref<1x200xi32, #tpu.memory_space<vmem>> -> memref<200xi32, #tpu.memory_space<vmem>>
        %dma_start3A_315 = arith.constant 0 : i32
        %dma_start3A_316 = arith.constant 0 : i32
        %dma_start3A_317 = tpu.memref_slice %arg2[%dma_start3A_315, %dma_start3A_316] : memref<1000000x128xf32, #tpu.memory_space<hbm>> -> memref<1000000x128xf32, #tpu.memory_space<hbm>>
        %dma_start3A_318 = tpu.memref_slice %arg7[%dma_start3A_307] : memref<4x!tpu.dma_semaphore, #tpu.memory_space<semaphore_mem>> -> memref<1x!tpu.dma_semaphore, #tpu.memory_space<semaphore_mem>>
        %dma_start3A_319 = tpu.memref_squeeze %dma_start3A_318 : memref<1x!tpu.dma_semaphore, #tpu.memory_space<semaphore_mem>> -> memref<!tpu.dma_semaphore, #tpu.memory_space<semaphore_mem>>
        tpu.enqueue_indirect_dma source(%dma_start3A_317 : memref<1000000x128xf32, #tpu.memory_space<hbm>>) target(%dma_start3A_311 : memref<200x128xf32, #tpu.memory_space<vmem>>) offsets(%dma_start3A_314 : memref<200xi32, #tpu.memory_space<vmem>>) semaphore(%dma_start3A_319 : memref<!tpu.dma_semaphore, #tpu.memory_space<semaphore_mem>>)
      } else {
      }
      %mul3A_208 = arith.constant 4 : i32
      %mul3A_209 = arith.muli %scan3A_116, %mul3A_208 : i32
      %add3A_210 = arith.constant 2 : i32
      %add3A_211 = arith.addi %mul3A_209, %add3A_210 : i32
      %dma_wait3A_212 = arith.constant 0 : i32
      %dma_wait3A_213 = arith.constant 2 : i32
      %dma_wait3A_214 = arith.constant 2 : i32
      %dma_wait3A_215 = arith.constant 0 : i32
      %dma_wait3A_216 = arith.constant 0 : i32
      %dma_wait3A_217 = tpu.memref_slice %arg6[%dma_wait3A_213, %dma_wait3A_215, %dma_wait3A_216] : memref<4x200x128xf32, #tpu.memory_space<vmem>> -> memref<1x200x128xf32, #tpu.memory_space<vmem>>
      %dma_wait3A_218 = tpu.memref_squeeze %dma_wait3A_217 : memref<1x200x128xf32, #tpu.memory_space<vmem>> -> memref<200x128xf32, #tpu.memory_space<vmem>>
      %dma_wait3A_219 = arith.constant 0 : i32
      %dma_wait3A_220 = tpu.memref_slice %arg5[%dma_wait3A_212, %dma_wait3A_219] : memref<128x200xi32, #tpu.memory_space<vmem>> -> memref<1x200xi32, #tpu.memory_space<vmem>>
      %dma_wait3A_221 = tpu.memref_squeeze %dma_wait3A_220 : memref<1x200xi32, #tpu.memory_space<vmem>> -> memref<200xi32, #tpu.memory_space<vmem>>
      %dma_wait3A_222 = arith.constant 0 : i32
      %dma_wait3A_223 = arith.constant 0 : i32
      %dma_wait3A_224 = tpu.memref_slice %arg2[%dma_wait3A_222, %dma_wait3A_223] : memref<1000000x128xf32, #tpu.memory_space<hbm>> -> memref<1000000x128xf32, #tpu.memory_space<hbm>>
      %dma_wait3A_225 = tpu.memref_slice %arg7[%dma_wait3A_214] : memref<4x!tpu.dma_semaphore, #tpu.memory_space<semaphore_mem>> -> memref<1x!tpu.dma_semaphore, #tpu.memory_space<semaphore_mem>>
      %dma_wait3A_226 = tpu.memref_squeeze %dma_wait3A_225 : memref<1x!tpu.dma_semaphore, #tpu.memory_space<semaphore_mem>> -> memref<!tpu.dma_semaphore, #tpu.memory_space<semaphore_mem>>
      tpu.wait_indirect_dma semaphore(%dma_wait3A_226 : memref<!tpu.dma_semaphore, #tpu.memory_space<semaphore_mem>>) src(%dma_wait3A_224 : memref<1000000x128xf32, #tpu.memory_space<hbm>>) dst(%dma_wait3A_218 : memref<200x128xf32, #tpu.memory_space<vmem>>)
      %add3A_227 = arith.addi %mul3A_2, %add3A_211 : i32
      %dma_start3A_228 = arith.constant 2 : i32
      %dma_start3A_229 = arith.constant 2 : i32
      %dma_start3A_230 = arith.constant 0 : i32
      %dma_start3A_231 = arith.constant 0 : i32
      %dma_start3A_232 = tpu.memref_slice %arg6[%dma_start3A_228, %dma_start3A_230, %dma_start3A_231] : memref<4x200x128xf32, #tpu.memory_space<vmem>> -> memref<1x200x128xf32, #tpu.memory_space<vmem>>
      %dma_start3A_233 = tpu.memref_squeeze %dma_start3A_232 : memref<1x200x128xf32, #tpu.memory_space<vmem>> -> memref<200x128xf32, #tpu.memory_space<vmem>>
      %dma_start3A_234 = arith.constant 0 : i32
      %dma_start3A_235 = arith.constant 0 : i32
      %dma_start3A_236 = tpu.memref_slice %arg4[%add3A_227, %dma_start3A_234, %dma_start3A_235] : memref<4096x208x128xf32, #tpu.memory_space<hbm>> -> memref<1x200x128xf32, #tpu.memory_space<hbm>>
      %dma_start3A_237 = tpu.memref_squeeze %dma_start3A_236 : memref<1x200x128xf32, #tpu.memory_space<hbm>> -> memref<200x128xf32, #tpu.memory_space<hbm>>
      %dma_start3A_238 = tpu.memref_slice %arg8[%dma_start3A_229] : memref<4x!tpu.dma_semaphore, #tpu.memory_space<semaphore_mem>> -> memref<1x!tpu.dma_semaphore, #tpu.memory_space<semaphore_mem>>
      %dma_start3A_239 = tpu.memref_squeeze %dma_start3A_238 : memref<1x!tpu.dma_semaphore, #tpu.memory_space<semaphore_mem>> -> memref<!tpu.dma_semaphore, #tpu.memory_space<semaphore_mem>>
      %dma_start3A_240 = arith.constant 0 : i32
      %dma_start3A_241 = arith.constant 0 : i32
      %dma_start3A_242 = tpu.memref_slice %arg4[%add3A_227, %dma_start3A_240, %dma_start3A_241] : memref<4096x208x128xf32, #tpu.memory_space<hbm>> -> memref<1x200x128xf32, #tpu.memory_space<hbm>>
      %dma_start3A_243 = tpu.memref_squeeze %dma_start3A_242 : memref<1x200x128xf32, #tpu.memory_space<hbm>> -> memref<200x128xf32, #tpu.memory_space<hbm>>
      %dma_start3A_244 = arith.constant 0 : i32
      %dma_start3A_245 = arith.constant 0 : i32
      %dma_start3A_246 = tpu.memref_slice %arg6[%dma_start3A_228, %dma_start3A_244, %dma_start3A_245] : memref<4x200x128xf32, #tpu.memory_space<vmem>> -> memref<1x200x128xf32, #tpu.memory_space<vmem>>
      %dma_start3A_247 = tpu.memref_squeeze %dma_start3A_246 : memref<1x200x128xf32, #tpu.memory_space<vmem>> -> memref<200x128xf32, #tpu.memory_space<vmem>>
      tpu.enqueue_dma source(%dma_start3A_247 : memref<200x128xf32, #tpu.memory_space<vmem>>) target(%dma_start3A_243 : memref<200x128xf32, #tpu.memory_space<hbm>>) target_semaphore(%dma_start3A_239 : memref<!tpu.dma_semaphore, #tpu.memory_space<semaphore_mem>>)
      %add3A_248 = arith.constant 2 : i32
      %add3A_249 = arith.addi %add3A_211, %add3A_248 : i32
      %lt3A_250 = arith.constant 128 : i32
      %lt3A_251 = arith.cmpi slt, %add3A_249, %lt3A_250 : i32
      %convert_element_type3A_252 = arith.extui %lt3A_251 : i1 to i32
      %cond3A_253 = arith.constant 0 : i32
      %cond3A_254 = arith.cmpi ne, %convert_element_type3A_252, %cond3A_253 : i32
      scf.if %cond3A_254 {
        %ge3A = arith.constant 4 : i32
        %ge3A_302 = arith.cmpi sge, %add3A_249, %ge3A : i32
        %convert_element_type3A_303 = arith.extui %ge3A_302 : i1 to i32
        %cond3A_304 = arith.constant 0 : i32
        %cond3A_305 = arith.cmpi ne, %convert_element_type3A_303, %cond3A_304 : i32
        scf.if %cond3A_305 {
          %dma_wait3A_320 = arith.constant 0 : i32
          %dma_wait3A_321 = arith.constant 0 : i32
          %dma_wait3A_322 = arith.constant 0 : i32
          %dma_wait3A_323 = arith.constant 0 : i32
          %dma_wait3A_324 = tpu.memref_slice %arg6[%dma_wait3A_320, %dma_wait3A_322, %dma_wait3A_323] : memref<4x200x128xf32, #tpu.memory_space<vmem>> -> memref<1x200x128xf32, #tpu.memory_space<vmem>>
          %dma_wait3A_325 = tpu.memref_squeeze %dma_wait3A_324 : memref<1x200x128xf32, #tpu.memory_space<vmem>> -> memref<200x128xf32, #tpu.memory_space<vmem>>
          %dma_wait3A_326 = arith.constant 0 : i32
          %dma_wait3A_327 = arith.constant 0 : i32
          %dma_wait3A_328 = tpu.memref_slice %arg4[%mul3A_2, %dma_wait3A_326, %dma_wait3A_327] : memref<4096x208x128xf32, #tpu.memory_space<hbm>> -> memref<1x200x128xf32, #tpu.memory_space<hbm>>
          %dma_wait3A_329 = tpu.memref_squeeze %dma_wait3A_328 : memref<1x200x128xf32, #tpu.memory_space<hbm>> -> memref<200x128xf32, #tpu.memory_space<hbm>>
          %dma_wait3A_330 = tpu.memref_slice %arg8[%dma_wait3A_321] : memref<4x!tpu.dma_semaphore, #tpu.memory_space<semaphore_mem>> -> memref<1x!tpu.dma_semaphore, #tpu.memory_space<semaphore_mem>>
          %dma_wait3A_331 = tpu.memref_squeeze %dma_wait3A_330 : memref<1x!tpu.dma_semaphore, #tpu.memory_space<semaphore_mem>> -> memref<!tpu.dma_semaphore, #tpu.memory_space<semaphore_mem>>
          %dma_wait3A_332 = arith.constant 0 : i32
          %dma_wait3A_333 = arith.constant 0 : i32
          %dma_wait3A_334 = tpu.memref_slice %arg4[%mul3A_2, %dma_wait3A_332, %dma_wait3A_333] : memref<4096x208x128xf32, #tpu.memory_space<hbm>> -> memref<1x200x128xf32, #tpu.memory_space<hbm>>
          %dma_wait3A_335 = tpu.memref_squeeze %dma_wait3A_334 : memref<1x200x128xf32, #tpu.memory_space<hbm>> -> memref<200x128xf32, #tpu.memory_space<hbm>>
          %dma_wait3A_336 = arith.constant 0 : i32
          %dma_wait3A_337 = arith.constant 0 : i32
          %dma_wait3A_338 = tpu.memref_slice %arg6[%dma_wait3A_320, %dma_wait3A_336, %dma_wait3A_337] : memref<4x200x128xf32, #tpu.memory_space<vmem>> -> memref<1x200x128xf32, #tpu.memory_space<vmem>>
          %dma_wait3A_339 = tpu.memref_squeeze %dma_wait3A_338 : memref<1x200x128xf32, #tpu.memory_space<vmem>> -> memref<200x128xf32, #tpu.memory_space<vmem>>
          tpu.wait_dma2 semaphore(%dma_wait3A_331 : memref<!tpu.dma_semaphore, #tpu.memory_space<semaphore_mem>>) src(%dma_wait3A_339 : memref<200x128xf32, #tpu.memory_space<vmem>>) dst(%dma_wait3A_335 : memref<200x128xf32, #tpu.memory_space<hbm>>)
        } else {
        }
        %dma_start3A_306 = arith.constant 0 : i32
        %dma_start3A_307 = arith.constant 0 : i32
        %dma_start3A_308 = arith.constant 0 : i32
        %dma_start3A_309 = arith.constant 0 : i32
        %dma_start3A_310 = tpu.memref_slice %arg6[%dma_start3A_306, %dma_start3A_308, %dma_start3A_309] : memref<4x200x128xf32, #tpu.memory_space<vmem>> -> memref<1x200x128xf32, #tpu.memory_space<vmem>>
        %dma_start3A_311 = tpu.memref_squeeze %dma_start3A_310 : memref<1x200x128xf32, #tpu.memory_space<vmem>> -> memref<200x128xf32, #tpu.memory_space<vmem>>
        %dma_start3A_312 = arith.constant 0 : i32
        %dma_start3A_313 = tpu.memref_slice %arg5[%add3A_249, %dma_start3A_312] : memref<128x200xi32, #tpu.memory_space<vmem>> -> memref<1x200xi32, #tpu.memory_space<vmem>>
        %dma_start3A_314 = tpu.memref_squeeze %dma_start3A_313 : memref<1x200xi32, #tpu.memory_space<vmem>> -> memref<200xi32, #tpu.memory_space<vmem>>
        %dma_start3A_315 = arith.constant 0 : i32
        %dma_start3A_316 = arith.constant 0 : i32
        %dma_start3A_317 = tpu.memref_slice %arg2[%dma_start3A_315, %dma_start3A_316] : memref<1000000x128xf32, #tpu.memory_space<hbm>> -> memref<1000000x128xf32, #tpu.memory_space<hbm>>
        %dma_start3A_318 = tpu.memref_slice %arg7[%dma_start3A_307] : memref<4x!tpu.dma_semaphore, #tpu.memory_space<semaphore_mem>> -> memref<1x!tpu.dma_semaphore, #tpu.memory_space<semaphore_mem>>
        %dma_start3A_319 = tpu.memref_squeeze %dma_start3A_318 : memref<1x!tpu.dma_semaphore, #tpu.memory_space<semaphore_mem>> -> memref<!tpu.dma_semaphore, #tpu.memory_space<semaphore_mem>>
        tpu.enqueue_indirect_dma source(%dma_start3A_317 : memref<1000000x128xf32, #tpu.memory_space<hbm>>) target(%dma_start3A_311 : memref<200x128xf32, #tpu.memory_space<vmem>>) offsets(%dma_start3A_314 : memref<200xi32, #tpu.memory_space<vmem>>) semaphore(%dma_start3A_319 : memref<!tpu.dma_semaphore, #tpu.memory_space<semaphore_mem>>)
      } else {
      }
      %mul3A_255 = arith.constant 4 : i32
      %mul3A_256 = arith.muli %scan3A_116, %mul3A_255 : i32
      %add3A_257 = arith.constant 3 : i32
      %add3A_258 = arith.addi %mul3A_256, %add3A_257 : i32
      %dma_wait3A_259 = arith.constant 0 : i32
      %dma_wait3A_260 = arith.constant 3 : i32
      %dma_wait3A_261 = arith.constant 3 : i32
      %dma_wait3A_262 = arith.constant 0 : i32
      %dma_wait3A_263 = arith.constant 0 : i32
      %dma_wait3A_264 = tpu.memref_slice %arg6[%dma_wait3A_260, %dma_wait3A_262, %dma_wait3A_263] : memref<4x200x128xf32, #tpu.memory_space<vmem>> -> memref<1x200x128xf32, #tpu.memory_space<vmem>>
      %dma_wait3A_265 = tpu.memref_squeeze %dma_wait3A_264 : memref<1x200x128xf32, #tpu.memory_space<vmem>> -> memref<200x128xf32, #tpu.memory_space<vmem>>
      %dma_wait3A_266 = arith.constant 0 : i32
      %dma_wait3A_267 = tpu.memref_slice %arg5[%dma_wait3A_259, %dma_wait3A_266] : memref<128x200xi32, #tpu.memory_space<vmem>> -> memref<1x200xi32, #tpu.memory_space<vmem>>
      %dma_wait3A_268 = tpu.memref_squeeze %dma_wait3A_267 : memref<1x200xi32, #tpu.memory_space<vmem>> -> memref<200xi32, #tpu.memory_space<vmem>>
      %dma_wait3A_269 = arith.constant 0 : i32
      %dma_wait3A_270 = arith.constant 0 : i32
      %dma_wait3A_271 = tpu.memref_slice %arg2[%dma_wait3A_269, %dma_wait3A_270] : memref<1000000x128xf32, #tpu.memory_space<hbm>> -> memref<1000000x128xf32, #tpu.memory_space<hbm>>
      %dma_wait3A_272 = tpu.memref_slice %arg7[%dma_wait3A_261] : memref<4x!tpu.dma_semaphore, #tpu.memory_space<semaphore_mem>> -> memref<1x!tpu.dma_semaphore, #tpu.memory_space<semaphore_mem>>
      %dma_wait3A_273 = tpu.memref_squeeze %dma_wait3A_272 : memref<1x!tpu.dma_semaphore, #tpu.memory_space<semaphore_mem>> -> memref<!tpu.dma_semaphore, #tpu.memory_space<semaphore_mem>>
      tpu.wait_indirect_dma semaphore(%dma_wait3A_273 : memref<!tpu.dma_semaphore, #tpu.memory_space<semaphore_mem>>) src(%dma_wait3A_271 : memref<1000000x128xf32, #tpu.memory_space<hbm>>) dst(%dma_wait3A_265 : memref<200x128xf32, #tpu.memory_space<vmem>>)
      %add3A_274 = arith.addi %mul3A_2, %add3A_258 : i32
      %dma_start3A_275 = arith.constant 3 : i32
      %dma_start3A_276 = arith.constant 3 : i32
      %dma_start3A_277 = arith.constant 0 : i32
      %dma_start3A_278 = arith.constant 0 : i32
      %dma_start3A_279 = tpu.memref_slice %arg6[%dma_start3A_275, %dma_start3A_277, %dma_start3A_278] : memref<4x200x128xf32, #tpu.memory_space<vmem>> -> memref<1x200x128xf32, #tpu.memory_space<vmem>>
      %dma_start3A_280 = tpu.memref_squeeze %dma_start3A_279 : memref<1x200x128xf32, #tpu.memory_space<vmem>> -> memref<200x128xf32, #tpu.memory_space<vmem>>
      %dma_start3A_281 = arith.constant 0 : i32
      %dma_start3A_282 = arith.constant 0 : i32
      %dma_start3A_283 = tpu.memref_slice %arg4[%add3A_274, %dma_start3A_281, %dma_start3A_282] : memref<4096x208x128xf32, #tpu.memory_space<hbm>> -> memref<1x200x128xf32, #tpu.memory_space<hbm>>
      %dma_start3A_284 = tpu.memref_squeeze %dma_start3A_283 : memref<1x200x128xf32, #tpu.memory_space<hbm>> -> memref<200x128xf32, #tpu.memory_space<hbm>>
      %dma_start3A_285 = tpu.memref_slice %arg8[%dma_start3A_276] : memref<4x!tpu.dma_semaphore, #tpu.memory_space<semaphore_mem>> -> memref<1x!tpu.dma_semaphore, #tpu.memory_space<semaphore_mem>>
      %dma_start3A_286 = tpu.memref_squeeze %dma_start3A_285 : memref<1x!tpu.dma_semaphore, #tpu.memory_space<semaphore_mem>> -> memref<!tpu.dma_semaphore, #tpu.memory_space<semaphore_mem>>
      %dma_start3A_287 = arith.constant 0 : i32
      %dma_start3A_288 = arith.constant 0 : i32
      %dma_start3A_289 = tpu.memref_slice %arg4[%add3A_274, %dma_start3A_287, %dma_start3A_288] : memref<4096x208x128xf32, #tpu.memory_space<hbm>> -> memref<1x200x128xf32, #tpu.memory_space<hbm>>
      %dma_start3A_290 = tpu.memref_squeeze %dma_start3A_289 : memref<1x200x128xf32, #tpu.memory_space<hbm>> -> memref<200x128xf32, #tpu.memory_space<hbm>>
      %dma_start3A_291 = arith.constant 0 : i32
      %dma_start3A_292 = arith.constant 0 : i32
      %dma_start3A_293 = tpu.memref_slice %arg6[%dma_start3A_275, %dma_start3A_291, %dma_start3A_292] : memref<4x200x128xf32, #tpu.memory_space<vmem>> -> memref<1x200x128xf32, #tpu.memory_space<vmem>>
      %dma_start3A_294 = tpu.memref_squeeze %dma_start3A_293 : memref<1x200x128xf32, #tpu.memory_space<vmem>> -> memref<200x128xf32, #tpu.memory_space<vmem>>
      tpu.enqueue_dma source(%dma_start3A_294 : memref<200x128xf32, #tpu.memory_space<vmem>>) target(%dma_start3A_290 : memref<200x128xf32, #tpu.memory_space<hbm>>) target_semaphore(%dma_start3A_286 : memref<!tpu.dma_semaphore, #tpu.memory_space<semaphore_mem>>)
      %add3A_295 = arith.constant 2 : i32
      %add3A_296 = arith.addi %add3A_258, %add3A_295 : i32
      %lt3A_297 = arith.constant 128 : i32
      %lt3A_298 = arith.cmpi slt, %add3A_296, %lt3A_297 : i32
      %convert_element_type3A_299 = arith.extui %lt3A_298 : i1 to i32
      %cond3A_300 = arith.constant 0 : i32
      %cond3A_301 = arith.cmpi ne, %convert_element_type3A_299, %cond3A_300 : i32
      scf.if %cond3A_301 {
        %ge3A = arith.constant 4 : i32
        %ge3A_302 = arith.cmpi sge, %add3A_296, %ge3A : i32
        %convert_element_type3A_303 = arith.extui %ge3A_302 : i1 to i32
        %cond3A_304 = arith.constant 0 : i32
        %cond3A_305 = arith.cmpi ne, %convert_element_type3A_303, %cond3A_304 : i32
        scf.if %cond3A_305 {
          %dma_wait3A_320 = arith.constant 1 : i32
          %dma_wait3A_321 = arith.constant 1 : i32
          %dma_wait3A_322 = arith.constant 0 : i32
          %dma_wait3A_323 = arith.constant 0 : i32
          %dma_wait3A_324 = tpu.memref_slice %arg6[%dma_wait3A_320, %dma_wait3A_322, %dma_wait3A_323] : memref<4x200x128xf32, #tpu.memory_space<vmem>> -> memref<1x200x128xf32, #tpu.memory_space<vmem>>
          %dma_wait3A_325 = tpu.memref_squeeze %dma_wait3A_324 : memref<1x200x128xf32, #tpu.memory_space<vmem>> -> memref<200x128xf32, #tpu.memory_space<vmem>>
          %dma_wait3A_326 = arith.constant 0 : i32
          %dma_wait3A_327 = arith.constant 0 : i32
          %dma_wait3A_328 = tpu.memref_slice %arg4[%mul3A_2, %dma_wait3A_326, %dma_wait3A_327] : memref<4096x208x128xf32, #tpu.memory_space<hbm>> -> memref<1x200x128xf32, #tpu.memory_space<hbm>>
          %dma_wait3A_329 = tpu.memref_squeeze %dma_wait3A_328 : memref<1x200x128xf32, #tpu.memory_space<hbm>> -> memref<200x128xf32, #tpu.memory_space<hbm>>
          %dma_wait3A_330 = tpu.memref_slice %arg8[%dma_wait3A_321] : memref<4x!tpu.dma_semaphore, #tpu.memory_space<semaphore_mem>> -> memref<1x!tpu.dma_semaphore, #tpu.memory_space<semaphore_mem>>
          %dma_wait3A_331 = tpu.memref_squeeze %dma_wait3A_330 : memref<1x!tpu.dma_semaphore, #tpu.memory_space<semaphore_mem>> -> memref<!tpu.dma_semaphore, #tpu.memory_space<semaphore_mem>>
          %dma_wait3A_332 = arith.constant 0 : i32
          %dma_wait3A_333 = arith.constant 0 : i32
          %dma_wait3A_334 = tpu.memref_slice %arg4[%mul3A_2, %dma_wait3A_332, %dma_wait3A_333] : memref<4096x208x128xf32, #tpu.memory_space<hbm>> -> memref<1x200x128xf32, #tpu.memory_space<hbm>>
          %dma_wait3A_335 = tpu.memref_squeeze %dma_wait3A_334 : memref<1x200x128xf32, #tpu.memory_space<hbm>> -> memref<200x128xf32, #tpu.memory_space<hbm>>
          %dma_wait3A_336 = arith.constant 0 : i32
          %dma_wait3A_337 = arith.constant 0 : i32
          %dma_wait3A_338 = tpu.memref_slice %arg6[%dma_wait3A_320, %dma_wait3A_336, %dma_wait3A_337] : memref<4x200x128xf32, #tpu.memory_space<vmem>> -> memref<1x200x128xf32, #tpu.memory_space<vmem>>
          %dma_wait3A_339 = tpu.memref_squeeze %dma_wait3A_338 : memref<1x200x128xf32, #tpu.memory_space<vmem>> -> memref<200x128xf32, #tpu.memory_space<vmem>>
          tpu.wait_dma2 semaphore(%dma_wait3A_331 : memref<!tpu.dma_semaphore, #tpu.memory_space<semaphore_mem>>) src(%dma_wait3A_339 : memref<200x128xf32, #tpu.memory_space<vmem>>) dst(%dma_wait3A_335 : memref<200x128xf32, #tpu.memory_space<hbm>>)
        } else {
        }
        %dma_start3A_306 = arith.constant 1 : i32
        %dma_start3A_307 = arith.constant 1 : i32
        %dma_start3A_308 = arith.constant 0 : i32
        %dma_start3A_309 = arith.constant 0 : i32
        %dma_start3A_310 = tpu.memref_slice %arg6[%dma_start3A_306, %dma_start3A_308, %dma_start3A_309] : memref<4x200x128xf32, #tpu.memory_space<vmem>> -> memref<1x200x128xf32, #tpu.memory_space<vmem>>
        %dma_start3A_311 = tpu.memref_squeeze %dma_start3A_310 : memref<1x200x128xf32, #tpu.memory_space<vmem>> -> memref<200x128xf32, #tpu.memory_space<vmem>>
        %dma_start3A_312 = arith.constant 0 : i32
        %dma_start3A_313 = tpu.memref_slice %arg5[%add3A_296, %dma_start3A_312] : memref<128x200xi32, #tpu.memory_space<vmem>> -> memref<1x200xi32, #tpu.memory_space<vmem>>
        %dma_start3A_314 = tpu.memref_squeeze %dma_start3A_313 : memref<1x200xi32, #tpu.memory_space<vmem>> -> memref<200xi32, #tpu.memory_space<vmem>>
        %dma_start3A_315 = arith.constant 0 : i32
        %dma_start3A_316 = arith.constant 0 : i32
        %dma_start3A_317 = tpu.memref_slice %arg2[%dma_start3A_315, %dma_start3A_316] : memref<1000000x128xf32, #tpu.memory_space<hbm>> -> memref<1000000x128xf32, #tpu.memory_space<hbm>>
        %dma_start3A_318 = tpu.memref_slice %arg7[%dma_start3A_307] : memref<4x!tpu.dma_semaphore, #tpu.memory_space<semaphore_mem>> -> memref<1x!tpu.dma_semaphore, #tpu.memory_space<semaphore_mem>>
        %dma_start3A_319 = tpu.memref_squeeze %dma_start3A_318 : memref<1x!tpu.dma_semaphore, #tpu.memory_space<semaphore_mem>> -> memref<!tpu.dma_semaphore, #tpu.memory_space<semaphore_mem>>
        tpu.enqueue_indirect_dma source(%dma_start3A_317 : memref<1000000x128xf32, #tpu.memory_space<hbm>>) target(%dma_start3A_311 : memref<200x128xf32, #tpu.memory_space<vmem>>) offsets(%dma_start3A_314 : memref<200xi32, #tpu.memory_space<vmem>>) semaphore(%dma_start3A_319 : memref<!tpu.dma_semaphore, #tpu.memory_space<semaphore_mem>>)
      } else {
      }
    }
    %scan3A_36 = arith.constant 32 : i32
    %dma_wait3A = arith.constant 0 : i32
    %dma_wait3A_37 = arith.constant 0 : i32
    %dma_wait3A_38 = arith.constant 0 : i32
    %dma_wait3A_39 = arith.constant 0 : i32
    %dma_wait3A_40 = tpu.memref_slice %arg6[%dma_wait3A, %dma_wait3A_38, %dma_wait3A_39] : memref<4x200x128xf32, #tpu.memory_space<vmem>> -> memref<1x200x128xf32, #tpu.memory_space<vmem>>
    %dma_wait3A_41 = tpu.memref_squeeze %dma_wait3A_40 : memref<1x200x128xf32, #tpu.memory_space<vmem>> -> memref<200x128xf32, #tpu.memory_space<vmem>>
    %dma_wait3A_42 = arith.constant 0 : i32
    %dma_wait3A_43 = arith.constant 0 : i32
    %dma_wait3A_44 = tpu.memref_slice %arg4[%mul3A_2, %dma_wait3A_42, %dma_wait3A_43] : memref<4096x208x128xf32, #tpu.memory_space<hbm>> -> memref<1x200x128xf32, #tpu.memory_space<hbm>>
    %dma_wait3A_45 = tpu.memref_squeeze %dma_wait3A_44 : memref<1x200x128xf32, #tpu.memory_space<hbm>> -> memref<200x128xf32, #tpu.memory_space<hbm>>
    %dma_wait3A_46 = tpu.memref_slice %arg8[%dma_wait3A_37] : memref<4x!tpu.dma_semaphore, #tpu.memory_space<semaphore_mem>> -> memref<1x!tpu.dma_semaphore, #tpu.memory_space<semaphore_mem>>
    %dma_wait3A_47 = tpu.memref_squeeze %dma_wait3A_46 : memref<1x!tpu.dma_semaphore, #tpu.memory_space<semaphore_mem>> -> memref<!tpu.dma_semaphore, #tpu.memory_space<semaphore_mem>>
    %dma_wait3A_48 = arith.constant 0 : i32
    %dma_wait3A_49 = arith.constant 0 : i32
    %dma_wait3A_50 = tpu.memref_slice %arg4[%mul3A_2, %dma_wait3A_48, %dma_wait3A_49] : memref<4096x208x128xf32, #tpu.memory_space<hbm>> -> memref<1x200x128xf32, #tpu.memory_space<hbm>>
    %dma_wait3A_51 = tpu.memref_squeeze %dma_wait3A_50 : memref<1x200x128xf32, #tpu.memory_space<hbm>> -> memref<200x128xf32, #tpu.memory_space<hbm>>
    %dma_wait3A_52 = arith.constant 0 : i32
    %dma_wait3A_53 = arith.constant 0 : i32
    %dma_wait3A_54 = tpu.memref_slice %arg6[%dma_wait3A, %dma_wait3A_52, %dma_wait3A_53] : memref<4x200x128xf32, #tpu.memory_space<vmem>> -> memref<1x200x128xf32, #tpu.memory_space<vmem>>
    %dma_wait3A_55 = tpu.memref_squeeze %dma_wait3A_54 : memref<1x200x128xf32, #tpu.memory_space<vmem>> -> memref<200x128xf32, #tpu.memory_space<vmem>>
    tpu.wait_dma2 semaphore(%dma_wait3A_47 : memref<!tpu.dma_semaphore, #tpu.memory_space<semaphore_mem>>) src(%dma_wait3A_55 : memref<200x128xf32, #tpu.memory_space<vmem>>) dst(%dma_wait3A_51 : memref<200x128xf32, #tpu.memory_space<hbm>>)
    %dma_wait3A_56 = arith.constant 1 : i32
    %dma_wait3A_57 = arith.constant 1 : i32
    %dma_wait3A_58 = arith.constant 0 : i32
    %dma_wait3A_59 = arith.constant 0 : i32
    %dma_wait3A_60 = tpu.memref_slice %arg6[%dma_wait3A_56, %dma_wait3A_58, %dma_wait3A_59] : memref<4x200x128xf32, #tpu.memory_space<vmem>> -> memref<1x200x128xf32, #tpu.memory_space<vmem>>
    %dma_wait3A_61 = tpu.memref_squeeze %dma_wait3A_60 : memref<1x200x128xf32, #tpu.memory_space<vmem>> -> memref<200x128xf32, #tpu.memory_space<vmem>>
    %dma_wait3A_62 = arith.constant 0 : i32
    %dma_wait3A_63 = arith.constant 0 : i32
    %dma_wait3A_64 = tpu.memref_slice %arg4[%mul3A_2, %dma_wait3A_62, %dma_wait3A_63] : memref<4096x208x128xf32, #tpu.memory_space<hbm>> -> memref<1x200x128xf32, #tpu.memory_space<hbm>>
    %dma_wait3A_65 = tpu.memref_squeeze %dma_wait3A_64 : memref<1x200x128xf32, #tpu.memory_space<hbm>> -> memref<200x128xf32, #tpu.memory_space<hbm>>
    %dma_wait3A_66 = tpu.memref_slice %arg8[%dma_wait3A_57] : memref<4x!tpu.dma_semaphore, #tpu.memory_space<semaphore_mem>> -> memref<1x!tpu.dma_semaphore, #tpu.memory_space<semaphore_mem>>
    %dma_wait3A_67 = tpu.memref_squeeze %dma_wait3A_66 : memref<1x!tpu.dma_semaphore, #tpu.memory_space<semaphore_mem>> -> memref<!tpu.dma_semaphore, #tpu.memory_space<semaphore_mem>>
    %dma_wait3A_68 = arith.constant 0 : i32
    %dma_wait3A_69 = arith.constant 0 : i32
    %dma_wait3A_70 = tpu.memref_slice %arg4[%mul3A_2, %dma_wait3A_68, %dma_wait3A_69] : memref<4096x208x128xf32, #tpu.memory_space<hbm>> -> memref<1x200x128xf32, #tpu.memory_space<hbm>>
    %dma_wait3A_71 = tpu.memref_squeeze %dma_wait3A_70 : memref<1x200x128xf32, #tpu.memory_space<hbm>> -> memref<200x128xf32, #tpu.memory_space<hbm>>
    %dma_wait3A_72 = arith.constant 0 : i32
    %dma_wait3A_73 = arith.constant 0 : i32
    %dma_wait3A_74 = tpu.memref_slice %arg6[%dma_wait3A_56, %dma_wait3A_72, %dma_wait3A_73] : memref<4x200x128xf32, #tpu.memory_space<vmem>> -> memref<1x200x128xf32, #tpu.memory_space<vmem>>
    %dma_wait3A_75 = tpu.memref_squeeze %dma_wait3A_74 : memref<1x200x128xf32, #tpu.memory_space<vmem>> -> memref<200x128xf32, #tpu.memory_space<vmem>>
    tpu.wait_dma2 semaphore(%dma_wait3A_67 : memref<!tpu.dma_semaphore, #tpu.memory_space<semaphore_mem>>) src(%dma_wait3A_75 : memref<200x128xf32, #tpu.memory_space<vmem>>) dst(%dma_wait3A_71 : memref<200x128xf32, #tpu.memory_space<hbm>>)
    %dma_wait3A_76 = arith.constant 2 : i32
    %dma_wait3A_77 = arith.constant 2 : i32
    %dma_wait3A_78 = arith.constant 0 : i32
    %dma_wait3A_79 = arith.constant 0 : i32
    %dma_wait3A_80 = tpu.memref_slice %arg6[%dma_wait3A_76, %dma_wait3A_78, %dma_wait3A_79] : memref<4x200x128xf32, #tpu.memory_space<vmem>> -> memref<1x200x128xf32, #tpu.memory_space<vmem>>
    %dma_wait3A_81 = tpu.memref_squeeze %dma_wait3A_80 : memref<1x200x128xf32, #tpu.memory_space<vmem>> -> memref<200x128xf32, #tpu.memory_space<vmem>>
    %dma_wait3A_82 = arith.constant 0 : i32
    %dma_wait3A_83 = arith.constant 0 : i32
    %dma_wait3A_84 = tpu.memref_slice %arg4[%mul3A_2, %dma_wait3A_82, %dma_wait3A_83] : memref<4096x208x128xf32, #tpu.memory_space<hbm>> -> memref<1x200x128xf32, #tpu.memory_space<hbm>>
    %dma_wait3A_85 = tpu.memref_squeeze %dma_wait3A_84 : memref<1x200x128xf32, #tpu.memory_space<hbm>> -> memref<200x128xf32, #tpu.memory_space<hbm>>
    %dma_wait3A_86 = tpu.memref_slice %arg8[%dma_wait3A_77] : memref<4x!tpu.dma_semaphore, #tpu.memory_space<semaphore_mem>> -> memref<1x!tpu.dma_semaphore, #tpu.memory_space<semaphore_mem>>
    %dma_wait3A_87 = tpu.memref_squeeze %dma_wait3A_86 : memref<1x!tpu.dma_semaphore, #tpu.memory_space<semaphore_mem>> -> memref<!tpu.dma_semaphore, #tpu.memory_space<semaphore_mem>>
    %dma_wait3A_88 = arith.constant 0 : i32
    %dma_wait3A_89 = arith.constant 0 : i32
    %dma_wait3A_90 = tpu.memref_slice %arg4[%mul3A_2, %dma_wait3A_88, %dma_wait3A_89] : memref<4096x208x128xf32, #tpu.memory_space<hbm>> -> memref<1x200x128xf32, #tpu.memory_space<hbm>>
    %dma_wait3A_91 = tpu.memref_squeeze %dma_wait3A_90 : memref<1x200x128xf32, #tpu.memory_space<hbm>> -> memref<200x128xf32, #tpu.memory_space<hbm>>
    %dma_wait3A_92 = arith.constant 0 : i32
    %dma_wait3A_93 = arith.constant 0 : i32
    %dma_wait3A_94 = tpu.memref_slice %arg6[%dma_wait3A_76, %dma_wait3A_92, %dma_wait3A_93] : memref<4x200x128xf32, #tpu.memory_space<vmem>> -> memref<1x200x128xf32, #tpu.memory_space<vmem>>
    %dma_wait3A_95 = tpu.memref_squeeze %dma_wait3A_94 : memref<1x200x128xf32, #tpu.memory_space<vmem>> -> memref<200x128xf32, #tpu.memory_space<vmem>>
    tpu.wait_dma2 semaphore(%dma_wait3A_87 : memref<!tpu.dma_semaphore, #tpu.memory_space<semaphore_mem>>) src(%dma_wait3A_95 : memref<200x128xf32, #tpu.memory_space<vmem>>) dst(%dma_wait3A_91 : memref<200x128xf32, #tpu.memory_space<hbm>>)
    %dma_wait3A_96 = arith.constant 3 : i32
    %dma_wait3A_97 = arith.constant 3 : i32
    %dma_wait3A_98 = arith.constant 0 : i32
    %dma_wait3A_99 = arith.constant 0 : i32
    %dma_wait3A_100 = tpu.memref_slice %arg6[%dma_wait3A_96, %dma_wait3A_98, %dma_wait3A_99] : memref<4x200x128xf32, #tpu.memory_space<vmem>> -> memref<1x200x128xf32, #tpu.memory_space<vmem>>
    %dma_wait3A_101 = tpu.memref_squeeze %dma_wait3A_100 : memref<1x200x128xf32, #tpu.memory_space<vmem>> -> memref<200x128xf32, #tpu.memory_space<vmem>>
    %dma_wait3A_102 = arith.constant 0 : i32
    %dma_wait3A_103 = arith.constant 0 : i32
    %dma_wait3A_104 = tpu.memref_slice %arg4[%mul3A_2, %dma_wait3A_102, %dma_wait3A_103] : memref<4096x208x128xf32, #tpu.memory_space<hbm>> -> memref<1x200x128xf32, #tpu.memory_space<hbm>>
    %dma_wait3A_105 = tpu.memref_squeeze %dma_wait3A_104 : memref<1x200x128xf32, #tpu.memory_space<hbm>> -> memref<200x128xf32, #tpu.memory_space<hbm>>
    %dma_wait3A_106 = tpu.memref_slice %arg8[%dma_wait3A_97] : memref<4x!tpu.dma_semaphore, #tpu.memory_space<semaphore_mem>> -> memref<1x!tpu.dma_semaphore, #tpu.memory_space<semaphore_mem>>
    %dma_wait3A_107 = tpu.memref_squeeze %dma_wait3A_106 : memref<1x!tpu.dma_semaphore, #tpu.memory_space<semaphore_mem>> -> memref<!tpu.dma_semaphore, #tpu.memory_space<semaphore_mem>>
    %dma_wait3A_108 = arith.constant 0 : i32
    %dma_wait3A_109 = arith.constant 0 : i32
    %dma_wait3A_110 = tpu.memref_slice %arg4[%mul3A_2, %dma_wait3A_108, %dma_wait3A_109] : memref<4096x208x128xf32, #tpu.memory_space<hbm>> -> memref<1x200x128xf32, #tpu.memory_space<hbm>>
    %dma_wait3A_111 = tpu.memref_squeeze %dma_wait3A_110 : memref<1x200x128xf32, #tpu.memory_space<hbm>> -> memref<200x128xf32, #tpu.memory_space<hbm>>
    %dma_wait3A_112 = arith.constant 0 : i32
    %dma_wait3A_113 = arith.constant 0 : i32
    %dma_wait3A_114 = tpu.memref_slice %arg6[%dma_wait3A_96, %dma_wait3A_112, %dma_wait3A_113] : memref<4x200x128xf32, #tpu.memory_space<vmem>> -> memref<1x200x128xf32, #tpu.memory_space<vmem>>
    %dma_wait3A_115 = tpu.memref_squeeze %dma_wait3A_114 : memref<1x200x128xf32, #tpu.memory_space<vmem>> -> memref<200x128xf32, #tpu.memory_space<vmem>>
    tpu.wait_dma2 semaphore(%dma_wait3A_107 : memref<!tpu.dma_semaphore, #tpu.memory_space<semaphore_mem>>) src(%dma_wait3A_115 : memref<200x128xf32, #tpu.memory_space<vmem>>) dst(%dma_wait3A_111 : memref<200x128xf32, #tpu.memory_space<hbm>>)
    return
  }
}

</mosaic_0001>

<sc_bundles>
// kernel: kernel.3.cloned.1.call-start
scs
__scs_entry_jumppad:
0x0: {  	(pc) =	sbr.rel $0x88, $3  }
0x1: {  	(tag) =	ssettag $0x0;
	lr =	simm.s32 $0x1  }
0x2: {  	[smem:$0x3F9F] =	sst lr;
	_ =	strace $0xD0000000  }
0x3: {  	_ = 	snop  }
0x4: {  	_ = 	snop  }
0x5: {  	_ = 	snop  }
0x6: {  	_ = 	snop  }
0x7: {  	_ = 	snop  }
__scs_overlays_trampoline_lowered:
0x8: {  	[smem:$0x3FAE] =	sst s0  }
0x9: {  	[smem:$0x3FAF] =	sst s1  }
0xa: {  	[smem:$0x3FB0] =	sst s2  }
0xb: {  	[smem:$0x3FB1] =	sst s3  }
0xc: {  	[smem:$0x3FB2] =	sst s4  }
0xd: {  	[smem:$0x3FB3] =	sst s5  }
0xe: {  	[smem:$0x3FB4] =	sst s6  }
0xf: {  	[smem:$0x3FB5] =	sst s7  }
0x10: {  	[smem:$0x3FB6] =	sst s8  }
0x11: {  	[smem:$0x3FB7] =	sst s9;
	s0 =	simm.s32 @!p0 $0x0  }
0x12: {  	s1 =	sld [smem:$0x3F9D];
	s0 =	simm.s32 @p0 $0x1  }
0x13: {  	[smem:$0x3FB8] =	sst s0;
	s0 =	simm.s32 @!p1 $0x0  }
0x14: {  	s2 =	sld [smem:$0x3F9C];
	s0 =	simm.s32 @p1 $0x1  }
0x15: {  	[smem:$0x3FB9] =	sst s0;
	s0 =	simm.s32 @!p2 $0x0  }
0x16: {  	s3 =	sld [smem:$0x3FDB];
	s0 =	simm.s32 @p2 $0x1  }
0x17: {  	s4 =	simm.s32 $0x1BF5;
	[smem:$0x3FBB] =	sst s0  }
0x18: {  	s0 =	sld [smem:$0x3F9E];
	_ =	swait.ge [sflag:s4], $0x0  }
0x19: {  	s7 =	sld [smem:$0x3F9F]  }
0x1a: {  	s8 =	sadd.s32 $0xFFFFE003, lr  }
0x1b: {  	s9 =	sadd.s32 $0xFFFFFEF7, lr;
	s5 =	simm.s32 $0xFFFFFFFF;
	p2 =	slt.u32 s8, $0xFFFFF086  }
0x1c: {  	p1 =	slt.u32 s9, $0xF7A;
	s5 =	simm.s32 @!p2 $0x0  }
0x1d: {  	s5 =	simm.s32 @p1 $0x1;
	p0 =	seq.s32 s7, s2  }
0x1e: {  	s7 =	smul.u32 @!p0 $0xF7A, s2;
	p2 =	seq.s32 @!p0 s5, $0x0  }
0x1f: {  	s9 =	smul.u32 $0xF7A, s1;
	s8 =	simm.s32 @!p0 $0x1BF5;
	p2 =	por !p2, p0  }
0x20: {  	[sflag:s8] =	ssyncset.s32 @!p0 $0xFFFFF086;
	s6 =	sadd.s32 @!p0 s3, s7;
	s7 =	simm.s32 @!p0 $0x108  }
0x21: {  	s3 =	sadd.s32 s3, s9;
	s6 =	sadd.s32 @!p0 $0x88, s6;
	s7 =	simm.s32 @p2 $0x1082  }
0x22: {  	[simem:s7], [sflag:s8] =	dma.local @!p0 [hbm:s6], $0xF7A  }
0x23: {  	s9 =	sor.u32 $0xD0000000, s2;
	s6 =	simm.s32 $0x108;
	_ =	swait.ge @!p0 [sflag:s8], $0x0  }
0x24: {  	s3 =	sadd.s32 $0x88, s3;
	s6 =	simm.s32 @!p1 $0x1082;
	[sflag:s4] =	ssyncset.s32 $0xFFFFF086  }
0x25: {  	[simem:s6], [sflag:s4] =	dma.local [hbm:s3], $0xF7A  }
0x26: {  	[smem:$0x3F9F] =	sst s1;
	(tag) =	ssettag s2;
	_ =	strace s9  }
0x27: {  	s1 =	sld [smem:$0x3FAF]  }
0x28: {  	s2 =	sld [smem:$0x3FB0]  }
0x29: {  	s4 =	sld [smem:$0x3FB2]  }
0x2a: {  	p0 =	seq.s32 s5, $0x0;
	s5 =	sld [smem:$0x3FB3]  }
0x2b: {  	s6 =	sld [smem:$0x3FB4]  }
0x2c: {  	s7 =	sld [smem:$0x3FB5]  }
0x2d: {  	s3 =	simm.s32 $0x108;
	s8 =	sld [smem:$0x3FB6]  }
0x2e: {  	s3 =	simm.s32 @!p0 $0x1082;
	s9 =	sld [smem:$0x3FB7]  }
0x2f: {  	lr =	sadd.s32 s0, s3;
	s0 =	sld [smem:$0x3FAE]  }
0x30: {  	s3 =	sld [smem:$0x3FB1]  }
0x31: {  	[smem:$0x3FBA] =	sst s10  }
0x32: {  	s10 =	sld [smem:$0x3FB8];
	_ =	sdelay $0x3  }
0x33: {  	p0 =	seq.s32 s10, $0x1;
	s10 =	sld [smem:$0x3FBA];
	_ =	sdelay $0x3  }
0x34: {  	[smem:$0x3FBA] =	sst s10  }
0x35: {  	s10 =	sld [smem:$0x3FB9];
	_ =	sdelay $0x3  }
0x36: {  	p1 =	seq.s32 s10, $0x1;
	s10 =	sld [smem:$0x3FBA];
	_ =	sdelay $0x3  }
0x37: {  	[smem:$0x3FBA] =	sst s10  }
0x38: {  	s10 =	sld [smem:$0x3FBB]  }
0x39: {  	_ = 	snop;
	(pc) =	sbr.ind lr, $3  }
0x3a: {  	_ = 	snop  }
0x3b: {  	_ = 	snop  }
0x3c: {  	p2 =	seq.s32 s10, $0x1;
	s10 =	sld [smem:$0x3FBA]  }
0x3d: {  	_ =	shalt  }
0x3e: {  	_ =	shalt  }
0x3f: {  	_ =	shalt  }
0x40: {  	_ =	shalt  }
0x41: {  	_ =	shalt  }
0x42: {  	_ =	shalt  }
0x43: {  	_ =	shalt  }
0x44: {  	_ =	shalt  }
0x45: {  	_ =	shalt  }
0x46: {  	_ =	shalt  }
0x47: {  	_ =	shalt  }
0x48: {  	_ =	shalt  }
0x49: {  	_ =	shalt  }
0x4a: {  	_ =	shalt  }
0x4b: {  	_ =	shalt  }
0x4c: {  	_ =	shalt  }
0x4d: {  	_ =	shalt  }
0x4e: {  	_ =	shalt  }
0x4f: {  	_ =	shalt  }
0x50: {  	_ =	shalt  }
0x51: {  	_ =	shalt  }
0x52: {  	_ =	shalt  }
0x53: {  	_ =	shalt  }
0x54: {  	_ =	shalt  }
0x55: {  	_ =	shalt  }
0x56: {  	_ =	shalt  }
0x57: {  	_ =	shalt  }
0x58: {  	_ =	shalt  }
0x59: {  	_ =	shalt  }
0x5a: {  	_ =	shalt  }
0x5b: {  	_ =	shalt  }
0x5c: {  	_ =	shalt  }
0x5d: {  	_ =	shalt  }
0x5e: {  	_ =	shalt  }
0x5f: {  	_ =	shalt  }
0x60: {  	_ =	shalt  }
0x61: {  	_ =	shalt  }
0x62: {  	_ =	shalt  }
0x63: {  	_ =	shalt  }
0x64: {  	_ =	shalt  }
0x65: {  	_ =	shalt  }
0x66: {  	_ =	shalt  }
0x67: {  	_ =	shalt  }
0x68: {  	_ =	shalt  }
0x69: {  	_ =	shalt  }
0x6a: {  	_ =	shalt  }
0x6b: {  	_ =	shalt  }
0x6c: {  	_ =	shalt  }
0x6d: {  	_ =	shalt  }
0x6e: {  	_ =	shalt  }
0x6f: {  	_ =	shalt  }
0x70: {  	_ =	shalt  }
0x71: {  	_ =	shalt  }
0x72: {  	_ =	shalt  }
0x73: {  	_ =	shalt  }
0x74: {  	_ =	shalt  }
0x75: {  	_ =	shalt  }
0x76: {  	_ =	shalt  }
0x77: {  	_ =	shalt  }
0x78: {  	_ =	shalt  }
0x79: {  	_ =	shalt  }
0x7a: {  	_ =	shalt  }
0x7b: {  	_ =	shalt  }
0x7c: {  	_ =	shalt  }
0x7d: {  	_ =	shalt  }
0x7e: {  	_ =	shalt  }
0x7f: {  	_ =	shalt  }
0x80: {  	_ =	shalt  }
0x81: {  	_ =	shalt  }
0x82: {  	_ =	shalt  }
0x83: {  	_ =	shalt  }
0x84: {  	_ =	shalt  }
0x85: {  	_ =	shalt  }
0x86: {  	_ =	shalt  }
0x87: {  	_ =	shalt  }
.Lfunc_end0:
.L_simem_size_0:
called_computation.1_lowered:
.L_overlay_start_0:
0x88: {  	s2 =	sld [smem:$0x3FD9]  }
0x89: {  	s3 =	sld [smem:$0x3FFE];
	_ =	sdelay $0x1  }
0x8a: {  	s1 =	srdreg.scid  }
0x8b: {  	s0 =	sand.u32 $0x1, s1  }
0x8c: {  	s17 =	sshll.u32 s0, $0xA;
	s2 =	sadd.s32 s3, s2  }
0x8d: {  	s2 =	sadd.s32 s2, s17  }
0x8e: {  	[smem:$0x3FC6] =	sst s2  }
0x8f: {  	_ = 	snop  }
0x90: {  	s2 =	sld [smem:$0x3FD0];
	(tm) =	ssettm $0x1  }
0x91: {  	s18 =	sld [smem:$0x3FFB];
	_ =	sdelay $0x3  }
0x92: {  	_ =	strace s18  }
0x93: {  	s3 =	sld [smem:$0x3FFC];
	_ =	sdelay $0x3  }
0x94: {  	_ =	strace s3  }
0x95: {  	s3 =	sld [smem:$0x3FFD];
	_ =	sdelay $0x3  }
0x96: {  	_ =	strace s3  }
0x97: {  	_ =	strace $0x8FFFFFFF  }
0x98: {  	s19 =	sld [smem:$0x3FDB];
	_ =	sdelay $0x1  }
0x99: {  	s4 =	simm.s32 $_scs_section_size  }
0x9a: {  	s5 =	simm.s32 $_size__tile_overlayer_lowered;
	s6 =	simm.s32 $_tile_overlayer_lowered  }
0x9b: {  	s22 =	simm.s32 $0x1BFF;
	s21 =	sshll.u32 s6, $0x1;
	s3 =	sadd.s32 s4, s19  }
0x9c: {  	s7 =	simm.s32 $0x0;
	s20 =	sshll.u32 s5, $0x1;
	s5 =	sadd.s32 s21, s3  }
0x9d: {  	[timem:s7], [sflag:s22] =	dma.local [hbm:s5], s20  }
0x9e: {  	_ =	swait.ge [sflag:s22], s20  }
0x9f: {  	s4 =	ssub.s32 $0x0, s20;
	[sflag:s22] =	ssyncset.done $0x0  }
0xa0: {  	[sflag:s22] =	ssyncadd.s32 s4;
	_ =	sdelay $0x1  }
0xa1: {  	s23 =	simm.s32 $0x1B8B  }
0xa2: {  	_ =	swait.ge [sflag:s23], $0x1  }
0xa3: {  	[sflag:s23] =	ssyncset.done $0x0  }
0xa4: {  	s25 =	simm.s32 $0x1B8E;
	s24 =	sld [smem:$0x3FFE];
	[sflag:s23] =	ssyncadd.s32 $0xFFFFFFFF  }
0xa5: {  	s26 =	simm.s32 $execute0_lowered;
	[smem:$0x3FD2] =	sst s25  }
0xa6: {  	s5 =	sshll.u32 s26, $0x1;
	_ =	strace $0x80000046;
	[dreg:$0x1] =	wrdreg $0xFFFFFFFF  }
0xa7: {  	s28 =	simm.s32 $_size_execute0_lowered;
	s3 =	sadd.s32 s3, s5;
	[dreg:$0x0] =	wrdreg $0x0  }
0xa8: {  	s5 =	sshll.u32 s28, $0x1;
	[dreg:$0x2] =	wrdreg s3  }
0xa9: {  	[dreg:$0x3] =	wrdreg s5  }
0xaa: {  	[dreg:$0x4] =	wrdreg $0xC0  }
0xab: {  	_ =	task [dreg:s7], $0x5FFFF  }
0xac: {  	[dreg:$0x1] =	wrdreg $0xFFFFFFFF  }
0xad: {  	[dreg:$0x0] =	wrdreg $0x60  }
0xae: {  	[dreg:$0x2] =	wrdreg s24  }
0xaf: {  	[dreg:$0x3] =	wrdreg s2  }
0xb0: {  	[dreg:$0x4] =	wrdreg $0x9  }
0xb1: {  	_ =	task.clear_ibuf [dreg:s7], $0x5FFFF;
	_ =	strace $0x90000046  }
0xb2: {  	s29 =	simm.s32 $0x9;
	_ =	strace $0x80000048  }
0xb3: {  	_ =	swait.ge [sflag:s29], $0x1  }
0xb4: {  	[sflag:s29] =	ssyncadd.s32 $0xFFFFFFFF  }
0xb5: {  	_ =	strace $0x90000048  }
0xb6: {  	_ =	sfence  }
0xb7: {  	s30 =	sld [smem:$0x0];
	_ =	sdelay $0x2  }
0xb8: {  	s31 =	sshll.u32 s1, $0xD;
	s1 =	sshrl.u32 s1, $0x2  }
0xb9: {  	s3 =	sand.u32 $0x4000, s31;
	s1 =	sadd.s32 s1, s30  }
0xba: {  	s0 =	sor.u32 s3, s0;
	s1 =	sshll.u32 s1, $0x11  }
0xbb: {  	s0 =	sor.u32 s1, s0  }
0xbc: {  	s0 =	sadd.s32 $0x8F2B, s0  }
0xbd: {  	[sflag:s0] =	ssyncadd.remote.s32 $0x1  }
0xbe: {  	_ =	sfence.sel $0xFFFF  }
0xbf: {  	[dreg:$0x0] =	wrdreg $0xFFFFFFFF;
	(pc) =	sbr.abs _section_cstart, $3  }
0xc0: {  	[dreg:$0x1] =	wrdreg $0xFFFFFFFF  }
0xc1: {  	_ =	task.clear_ibuf [dreg:s7], $0x2FFFF;
	_ =	strace $0x9FFFFFFF  }
0xc2: {  	(tm) =	ssettm $0x7FFFFFFF  }
0xc3: {  	_ =	shalt  }
tec
execute0_lowered:
.L_overlay_start_1:
0x0: {  	(tag) =	ssettag $0x1  }
0x1: {  	s0 =	rddreg [dreg:$0x0]  }
0x2: {  	s1 =	rddreg [dreg:$0x1];
	s2 =	srdreg.scid  }
0x3: {  	s10 =	stileid.u32;
	s12 =	simm.s32 $0x9;
	s13 =	simm.s32 $0xC8  }
0x4: {  	s14 =	simm.s32 $0x6400;
	s15 =	simm.s32 $0xC800;
	s16 =	simm.s32 $0x1  }
0x5: {  	s18 =	simm.s32 $0x12C00;
	s19 =	simm.s32 $0x2;
	s21 =	simm.s32 $0x19000  }
0x6: {  	s22 =	simm.s32 $0x3;
	s23 =	simm.s32 $0x5;
	s24 =	simm.s32 $0x320  }
0x7: {  	s25 =	simm.s32 $0x4;
	s28 =	simm.s32 $0x3E8;
	s29 =	simm.s32 $0x7  }
0x8: {  	s30 =	simm.s32 $0x8;
	s31 =	simm.s32 $0x0;
	s6 =	sand.u32 $0x1, s2  }
0x9: {  	s3 =	sshll.u32 s10, $0x8;
	s10 =	smul.u32 $0xD0000, s10;
	s4 =	sshll.u32 s6, $0x7  }
0xa: {  	s2 =	simm.s32 $0x0;
	s26 =	smul.u32 $0x68000, s6;
	s4 =	sor.u32 s4, s3  }
0xb: {  	[smem:$0x7FF] =	sst s2;
	s5 =	ssub.s32 $0x2, s6;
	s7 =	smul.u32 $0x19, s4  }
0xc: {  	s3 =	sadd.s32 $0xF42E00, s0;
	s8 =	sshrl.u32 s5, $0x1;
	s9 =	smul.u32 $0xD00, s4  }
.Ltmp0:
0xd: {  	s0 =	sadd.s32 $0xA00, s0;
	s8 =	ssub.s32 s5, s8;
	(pc) =	sbr.rel .LBB2_1-.Ltmp0, $4  }
0xe: {  	_ =	strace $0x80000047;
	s6 =	smax.u32 s8, $0x1;
	s5 =	sadd.s32 s0, s9  }
0xf: {  	s4 =	sadd.s32 s1, s7;
	s0 =	sadd.s32 s10, s0;
	s7 =	sadd.s32 $0x67300, s5  }
0x10: {  	s8 =	sadd.s32 $0xD00, s5;
	s9 =	sadd.s32 $0x1A00, s5;
	s0 =	sadd.s32 s26, s0  }
0x11: {  	s10 =	sadd.s32 $0x2700, s5;
	s26 =	simm.s32 $0x6;
	s0 =	sadd.s32 $0x3400, s0  }
.LBB2_4:
0x12: {  	_ =	swait.ge [sflag:s25], $0x6400  }
0x13: {  	[sflag:s25] =	ssyncset.done $0x0  }
0x14: {  	[sflag:s25] =	ssyncadd.s32 $0xFFFF9C00  }
0x15: {  	[hbm4b:s7+s2] =	stream.linear.scatter [tilespmem:s21], [sflag:$0x8], $0x6400, $0x38;
	[tilespmem:$0x1F400] =	vst v63  }
0x16: {  	_ =	swait.ge [sflag:s23], $0x6400  }
0x17: {  	[sflag:s23] =	ssyncset.done $0x0  }
0x18: {  	[sflag:s23] =	ssyncadd.s32 $0xFFFF9C00  }
0x19: {  	_ =	swait.ge [sflag:s26], $0x6400  }
0x1a: {  	[sflag:s26] =	ssyncset.done $0x0  }
0x1b: {  	s31 =	sadd.s32 $0x1, s31;
	[sflag:s26] =	ssyncadd.s32 $0xFFFF9C00  }
0x1c: {  	p0 =	sne.s32 s31, s6;
	_ =	swait.ge [sflag:s29], $0x6400  }
.Ltmp1:
0x1d: {  	[sflag:s29] =	ssyncset.done $0x0;
	(pc) =	sbr.rel @!p0 .LBB2_5-.Ltmp1, $4  }
0x1e: {  	[sflag:s29] =	ssyncadd.s32 $0xFFFF9C00  }
0x1f: {  	_ =	swait.ge [sflag:s30], $0x6400  }
0x20: {  	[sflag:s30] =	ssyncset.done $0x0  }
0x21: {  	[sflag:s30] =	ssyncadd.s32 $0xFFFF9C00  }
.LBB2_1:
0x22: {  	[tilespmem:s2], [sflag:$0x9] =	stream.linear.gather [hbm4b:s4+s2], $0x6400, $0x38;
	[tilespmem:$0x1F400] =	vst v63  }
0x23: {  	_ =	swait.ge [sflag:s12], $0x6400  }
0x24: {  	[sflag:s12] =	ssyncset.done $0x0  }
0x25: {  	[sflag:s12] =	ssyncadd.s32 $0xFFFF9C00  }
0x26: {  	[tilespmem:s14], [sflag:$0x1] =	stream.indirect.gather [hbm4b:s3+s13], $0x80, s2, s13, $0xb8;
	[tilespmem:$0x1F400] =	vst v63  }
0x27: {  	_ = 	snop  }
0x28: {  	[tilespmem:s15], [sflag:$0x2] =	stream.indirect.gather [hbm4b:s3+s13], $0x80, s13, s13, $0xb8;
	[tilespmem:$0x1F400] =	vst v63  }
0x29: {  	_ =	swait.ge [sflag:s16], $0x6400  }
0x2a: {  	[sflag:s16] =	ssyncset.done $0x0  }
0x2b: {  	[sflag:s16] =	ssyncadd.s32 $0xFFFF9C00  }
0x2c: {  	[hbm4b:s5+s2] =	stream.linear.scatter [tilespmem:s14], [sflag:$0x5], $0x6400, $0x38;
	[tilespmem:$0x1F400] =	vst v63  }
0x2d: {  	s1 =	simm.s32 $0x190  }
0x2e: {  	[tilespmem:s18], [sflag:$0x3] =	stream.indirect.gather [hbm4b:s3+s13], $0x80, s1, s13, $0xb8;
	[tilespmem:$0x1F400] =	vst v63  }
0x2f: {  	_ =	swait.ge [sflag:s19], $0x6400  }
0x30: {  	[sflag:s19] =	ssyncset.done $0x0  }
0x31: {  	[sflag:s19] =	ssyncadd.s32 $0xFFFF9C00  }
0x32: {  	[hbm4b:s8+s2] =	stream.linear.scatter [tilespmem:s15], [sflag:$0x6], $0x6400, $0x38;
	[tilespmem:$0x1F400] =	vst v63  }
0x33: {  	s20 =	simm.s32 $0x258  }
0x34: {  	[tilespmem:s21], [sflag:$0x4] =	stream.indirect.gather [hbm4b:s3+s13], $0x80, s20, s13, $0xb8;
	[tilespmem:$0x1F400] =	vst v63  }
0x35: {  	_ =	swait.ge [sflag:s22], $0x6400  }
0x36: {  	[sflag:s22] =	ssyncset.done $0x0  }
0x37: {  	[sflag:s22] =	ssyncadd.s32 $0xFFFF9C00  }
0x38: {  	[hbm4b:s9+s2] =	stream.linear.scatter [tilespmem:s18], [sflag:$0x7], $0x6400, $0x38;
	[tilespmem:$0x1F400] =	vst v63  }
0x39: {  	_ =	swait.ge [sflag:s23], $0x6400  }
0x3a: {  	[sflag:s23] =	ssyncset.done $0x0  }
0x3b: {  	[sflag:s23] =	ssyncadd.s32 $0xFFFF9C00  }
0x3c: {  	[tilespmem:s14], [sflag:$0x1] =	stream.indirect.gather [hbm4b:s3+s13], $0x80, s24, s13, $0xb8;
	[tilespmem:$0x1F400] =	vst v63  }
0x3d: {  	_ =	swait.ge [sflag:s25], $0x6400  }
0x3e: {  	[sflag:s25] =	ssyncset.done $0x0  }
0x3f: {  	[sflag:s25] =	ssyncadd.s32 $0xFFFF9C00  }
0x40: {  	[hbm4b:s10+s2] =	stream.linear.scatter [tilespmem:s21], [sflag:$0x8], $0x6400, $0x38;
	[tilespmem:$0x1F400] =	vst v63  }
0x41: {  	_ =	swait.ge [sflag:s26], $0x6400  }
0x42: {  	[sflag:s26] =	ssyncset.done $0x0  }
0x43: {  	s11 =	smov.u32 s0;
	s1 =	simm.s32 $0x0;
	[sflag:s26] =	ssyncadd.s32 $0xFFFF9C00  }
0x44: {  	[tilespmem:s15], [sflag:$0x2] =	stream.indirect.gather [hbm4b:s3+s13], $0x80, s28, s13, $0xb8;
	[tilespmem:$0x1F400] =	vst v63  }
.LBB2_2:
0x45: {  	_ =	swait.ge [sflag:s16], $0x6400  }
0x46: {  	[sflag:s16] =	ssyncset.done $0x0  }
0x47: {  	[sflag:s16] =	ssyncadd.s32 $0xFFFF9C00  }
0x48: {  	[hbm4b:s11+s2] =	stream.linear.scatter [tilespmem:s14], [sflag:$0x5], $0x6400, $0x38;
	[tilespmem:$0x1F400] =	vst v63  }
0x49: {  	_ =	swait.ge [sflag:s29], $0x6400  }
0x4a: {  	s17 =	sshra.s32 s1, $0x2;
	[sflag:s29] =	ssyncset.done $0x0  }
0x4b: {  	s20 =	sadd.s32 $0x4B0, s17;
	[sflag:s29] =	ssyncadd.s32 $0xFFFF9C00  }
0x4c: {  	[tilespmem:s18], [sflag:$0x3] =	stream.indirect.gather [hbm4b:s3+s13], $0x80, s20, s13, $0xb8;
	[tilespmem:$0x1F400] =	vst v63  }
0x4d: {  	_ =	swait.ge [sflag:s19], $0x6400  }
0x4e: {  	[sflag:s19] =	ssyncset.done $0x0  }
0x4f: {  	s20 =	sadd.s32 $0xD00, s11;
	[sflag:s19] =	ssyncadd.s32 $0xFFFF9C00  }
0x50: {  	[hbm4b:s20+s2] =	stream.linear.scatter [tilespmem:s15], [sflag:$0x6], $0x6400, $0x38;
	[tilespmem:$0x1F400] =	vst v63  }
0x51: {  	_ =	swait.ge [sflag:s30], $0x6400  }
0x52: {  	[sflag:s30] =	ssyncset.done $0x0  }
0x53: {  	p0 =	seq.s32 s1, $0x17700;
	s20 =	sadd.s32 $0x578, s17;
	[sflag:s30] =	ssyncadd.s32 $0xFFFF9C00  }
0x54: {  	[tilespmem:s21], [sflag:$0x4] =	stream.indirect.gather [hbm4b:s3+s13], $0x80, s20, s13, $0xb8;
	[tilespmem:$0x1F400] =	vst v63  }
.Ltmp2:
0x55: {  	_ = 	snop;
	(pc) =	sbr.rel @p0 .LBB2_4-.Ltmp2, $4  }
0x56: {  	_ =	swait.ge [sflag:s22], $0x6400  }
0x57: {  	[sflag:s22] =	ssyncset.done $0x0  }
0x58: {  	s20 =	sadd.s32 $0x1A00, s11;
	[sflag:s22] =	ssyncadd.s32 $0xFFFF9C00  }
0x59: {  	[hbm4b:s20+s2] =	stream.linear.scatter [tilespmem:s18], [sflag:$0x7], $0x6400, $0x38;
	[tilespmem:$0x1F400] =	vst v63  }
0x5a: {  	_ =	swait.ge [sflag:s23], $0x6400  }
0x5b: {  	[sflag:s23] =	ssyncset.done $0x0  }
0x5c: {  	s20 =	sadd.s32 $0x640, s17;
	[sflag:s23] =	ssyncadd.s32 $0xFFFF9C00  }
0x5d: {  	[tilespmem:s14], [sflag:$0x1] =	stream.indirect.gather [hbm4b:s3+s13], $0x80, s20, s13, $0xb8;
	[tilespmem:$0x1F400] =	vst v63  }
0x5e: {  	_ =	swait.ge [sflag:s25], $0x6400  }
0x5f: {  	[sflag:s25] =	ssyncset.done $0x0  }
0x60: {  	s20 =	sadd.s32 $0x2700, s11;
	[sflag:s25] =	ssyncadd.s32 $0xFFFF9C00  }
0x61: {  	[hbm4b:s20+s2] =	stream.linear.scatter [tilespmem:s21], [sflag:$0x8], $0x6400, $0x38;
	[tilespmem:$0x1F400] =	vst v63  }
.Ltmp3:
0x62: {  	_ = 	snop;
	(pc) =	sbr.rel .LBB2_2-.Ltmp3, $4  }
0x63: {  	_ =	swait.ge [sflag:s26], $0x6400  }
0x64: {  	s1 =	sadd.s32 $0xC80, s1;
	[sflag:s26] =	ssyncset.done $0x0  }
0x65: {  	s11 =	sadd.s32 $0x3400, s11;
	s20 =	sadd.s32 $0x708, s17;
	[sflag:s26] =	ssyncadd.s32 $0xFFFF9C00  }
0x66: {  	[tilespmem:s15], [sflag:$0x2] =	stream.indirect.gather [hbm4b:s3+s13], $0x80, s20, s13, $0xb8;
	[tilespmem:$0x1F400] =	vst v63  }
.LBB2_5:
0x67: {  	_ =	sfence.sel $0x180000  }
0x68: {  	[bflag:$0x0] =	sbarrier.arrive $0xFFFF  }
0x69: {  	_ =	strace $0x90000047  }
0x6a: {  	s0 =	stileid.u32;
	[bflag:$0x2] =	sbarrier.arrive $0xFFFF  }
0x6b: {  	p0 =	sne.s32 s0, $0x0;
	s0 =	rddreg [dreg:$0x2]  }
0x6c: {  	s0 =	sadd.s32 @!p0 $0x100000, s0  }
0x6d: {  	[sflag:s0] =	ssyncadd.tile.s32 @!p0 $0x1;
	_ =	shalt  }
.Lfunc_end2:
_tile_overlayer_lowered:
.L_overlay_start_2:
0x6e: {  	(tag) =	ssettag $0x2  }
0x6f: {  	s0 =	rddreg [dreg:$0x0];
	s2 =	stileid.u32  }
0x70: {  	s1 =	rddreg [dreg:$0x1];
	p0 =	sne.s32 s2, $0x0  }
0x71: {  	s3 =	rddreg [dreg:$0x2];
	[bflag:$0x3] =	sbarrier.arrive $0xFFFF;
	s2 =	simm.s32 @!p0 $0x1C09  }
0x72: {  	[timem:s3], [sflag:s2] =	dma.local @!p0 [hbm:s0], s1  }
0x73: {  	s0 =	simm.s32 @!p0 $0x9  }
0x74: {  	_ =	swait.ge @!p0 [sflag:s0], s1  }
0x75: {  	s1 =	ssub.s32 @!p0 $0x0, s1;
	[sflag:s0] =	ssyncset.done @!p0 $0x0  }
0x76: {  	[sflag:s0] =	ssyncadd.s32 @!p0 s1  }
0x77: {  	[bflag:$0x3] =	sbarrier.arrive $0xFFFF  }
0x78: {  	_ =	shalt  }

// kernel: sparse-core-data-format-call.cloned.1.call-start
scs
called_computation_lowered:
.L_overlay_start_0:
0x0: {  	s2 =	sld [smem:$0x3FD9]  }
0x1: {  	s3 =	sld [smem:$0x3FFE];
	_ =	sdelay $0x1  }
0x2: {  	s1 =	srdreg.scid  }
0x3: {  	s0 =	sand.u32 $0x1, s1  }
0x4: {  	s18 =	sshll.u32 s0, $0xA;
	s2 =	sadd.s32 s3, s2  }
0x5: {  	s2 =	sadd.s32 s2, s18  }
0x6: {  	[smem:$0x3FC6] =	sst s2  }
0x7: {  	_ = 	snop  }
0x8: {  	s2 =	sld [smem:$0x3FD0];
	(tm) =	ssettm $0x1  }
0x9: {  	s19 =	sld [smem:$0x3FFB];
	_ =	sdelay $0x3  }
0xa: {  	_ =	strace s19  }
0xb: {  	s3 =	sld [smem:$0x3FFC];
	_ =	sdelay $0x3  }
0xc: {  	_ =	strace s3  }
0xd: {  	s3 =	sld [smem:$0x3FFD];
	_ =	sdelay $0x3  }
0xe: {  	_ =	strace s3  }
0xf: {  	_ =	strace $0x8FFFFFFF  }
0x10: {  	s20 =	sld [smem:$0x3FDB];
	_ =	sdelay $0x1  }
0x11: {  	s4 =	simm.s32 $_scs_section_size  }
0x12: {  	s5 =	simm.s32 $_size__tile_overlayer_lowered;
	s6 =	simm.s32 $_tile_overlayer_lowered  }
0x13: {  	s23 =	simm.s32 $0x1BFF;
	s22 =	sshll.u32 s6, $0x1;
	s3 =	sadd.s32 s4, s20  }
0x14: {  	s7 =	simm.s32 $0x0;
	s21 =	sshll.u32 s5, $0x1;
	s5 =	sadd.s32 s22, s3  }
0x15: {  	[timem:s7], [sflag:s23] =	dma.local [hbm:s5], s21  }
0x16: {  	_ =	swait.ge [sflag:s23], s21  }
0x17: {  	s4 =	ssub.s32 $0x0, s21;
	[sflag:s23] =	ssyncset.done $0x0  }
0x18: {  	[sflag:s23] =	ssyncadd.s32 s4;
	_ =	sdelay $0x1  }
0x19: {  	s24 =	simm.s32 $0x1B8B  }
0x1a: {  	_ =	swait.ge [sflag:s24], $0x1  }
0x1b: {  	[sflag:s24] =	ssyncset.done $0x0  }
0x1c: {  	s26 =	simm.s32 $0x1B8E;
	s25 =	sld [smem:$0x3FFE];
	[sflag:s24] =	ssyncadd.s32 $0xFFFFFFFF  }
0x1d: {  	s27 =	simm.s32 $execute0_lowered;
	[smem:$0x3FD2] =	sst s26  }
0x1e: {  	s5 =	sshll.u32 s27, $0x1;
	_ =	strace $0x80000049;
	[dreg:$0x1] =	wrdreg $0xFFFFFFFF  }
0x1f: {  	s28 =	simm.s32 $_size_execute0_lowered;
	s3 =	sadd.s32 s3, s5;
	[dreg:$0x0] =	wrdreg $0x0  }
0x20: {  	s5 =	sshll.u32 s28, $0x1;
	[dreg:$0x2] =	wrdreg s3  }
0x21: {  	[dreg:$0x3] =	wrdreg s5  }
0x22: {  	[dreg:$0x4] =	wrdreg $0xC0  }
0x23: {  	_ =	task [dreg:s7], $0x5FFFF  }
0x24: {  	[dreg:$0x1] =	wrdreg $0xFFFFFFFF  }
0x25: {  	[dreg:$0x0] =	wrdreg $0x60  }
0x26: {  	[dreg:$0x2] =	wrdreg s25  }
0x27: {  	[dreg:$0x3] =	wrdreg s2  }
0x28: {  	[dreg:$0x4] =	wrdreg $0x9  }
0x29: {  	_ =	task.clear_ibuf [dreg:s7], $0x5FFFF;
	_ =	strace $0x90000049  }
0x2a: {  	s29 =	simm.s32 $0x9;
	_ =	strace $0x8000004B  }
0x2b: {  	_ =	swait.ge [sflag:s29], $0x1  }
0x2c: {  	[sflag:s29] =	ssyncadd.s32 $0xFFFFFFFF  }
0x2d: {  	_ =	strace $0x9000004B  }
0x2e: {  	_ =	sfence  }
0x2f: {  	s30 =	sld [smem:$0x0];
	_ =	sdelay $0x2  }
0x30: {  	s31 =	sshll.u32 s1, $0xD;
	s1 =	sshrl.u32 s1, $0x2  }
0x31: {  	s3 =	sand.u32 $0x4000, s31;
	s1 =	sadd.s32 s1, s30  }
0x32: {  	s0 =	sor.u32 s3, s0;
	s1 =	sshll.u32 s1, $0x11  }
0x33: {  	s0 =	sor.u32 s1, s0  }
0x34: {  	s0 =	sadd.s32 $0x8F2B, s0  }
0x35: {  	[sflag:s0] =	ssyncadd.remote.s32 $0x1  }
0x36: {  	_ =	sfence.sel $0xFFFF  }
0x37: {  	[dreg:$0x0] =	wrdreg $0xFFFFFFFF;
	(pc) =	sbr.abs _section_cstart, $3  }
0x38: {  	[dreg:$0x1] =	wrdreg $0xFFFFFFFF  }
0x39: {  	_ =	task.clear_ibuf [dreg:s7], $0x2FFFF;
	_ =	strace $0x9FFFFFFF  }
0x3a: {  	(tm) =	ssettm $0x7FFFFFFF  }
0x3b: {  	_ =	shalt  }
tec
execute0_lowered:
.L_overlay_start_1:
0x0: {  	(tag) =	ssettag $0x1  }
0x1: {  	s0 =	srdreg.scid  }
0x2: {  	s1 =	sshll.u32 s0, $0x4  }
0x3: {  	s0 =	stileid.u32;
	s1 =	sand.u32 $0x10, s1  }
0x4: {  	s1 =	sor.u32 s0, s1  }
0x5: {  	s6 =	rddreg [dreg:$0x0];
	s4 =	simm.s32 $0x1;
	s2 =	sshll.u32 s1, $0x7  }
0x6: {  	s7 =	simm.s32 $0x2;
	s12 =	simm.s32 $0x0;
	s1 =	ssub.s32 $0x1000, s2  }
0x7: {  	s8 =	simm.s32 $0x8000;
	s13 =	simm.s32 $0x0;
	s3 =	sand.u32 $0xF80, s1  }
0x8: {  	s9 =	simm.s32 $0x0;
	s5 =	sshrl.u32 s1, $0xC;
	p0 =	sne.s32 s3, $0x0  }
.Ltmp0:
0x9: {  	s1 =	rddreg [dreg:$0x2];
	s4 =	simm.s32 @!p0 $0x0;
	(pc) =	sbr.rel .LBB1_1-.Ltmp0, $4  }
0xa: {  	s11 =	simm.s32 $0x0;
	s3 =	rddreg [dreg:$0x1];
	s5 =	sadd.s32 s4, s5  }
0xb: {  	_ =	strace $0x8000004A;
	s4 =	simm.s32 $0x1;
	s5 =	smul.u32 $0xC8, s5  }
0xc: {  	s6 =	sadd.s32 $0xD00A00, s6;
	s10 =	smov.u32 s2;
	[sflag:s4] =	ssyncpa.u1 $0x0  }
0xd: {  	p0 =	por $0x0, $0x0;
	[sflag:s7] =	ssyncpa.u1 $0x0;
	s7 =	sor.u32 $0x1, s5  }
.LBB1_4:
0xe: {  	s16 =	sshll.u32 s13, $0x3;
	s17 =	sand.u32 $0x78, s13  }
0xf: {  	s30 =	sand.u32 $0x7E00, s13;
	s12 =	sshll.u32 s12, $0xF;
	s16 =	sand.u32 $0xC00, s16  }
0x10: {  	[tilespmem:s15+$0x810 ss:$0x81] =	vst.msk $0xffff, v2;
	s31 =	sand.u32 $0x7, s13;
	s16 =	sor.u32 s17, s16;
	s17 =	sadd.s32 s3, s30  }
0x11: {  	[tilespmem:s15+$0x1020 ss:$0x81] =	vst.msk $0xffff, v0;
	s13 =	sshll.u32 s31, $0x12;
	s12 =	sadd.s32 s12, s17;
	s16 =	sshrl.u32 s16, $0x3  }
0x12: {  	[tilespmem:s15+$0x0 ss:$0x81] =	vst.msk $0xffff, v1;
	s13 =	sor.u32 $0x400, s13;
	s12 =	sadd.s32 s16, s12  }
0x13: {  	[hbm4b:s12+s13] =	stream.strided.scatter [tilespmem:s14], [sflag:$0x2], $0x2000, s8, s13, $0x20;
	[tilespmem:$0x8080] =	vst v63  }
.LBB1_5:
0x14: {  	s14 =	sadd.s32 $0x1, s9  }
0x15: {  	s12 =	sadd.s32 $0x1000, s10;
	s16 =	smov.u32 s10;
	p2 =	sgt.s32 s14, $0xC7  }
0x16: {  	s16 =	smov.u32 @p2 s12  }
0x17: {  	s14 =	simm.s32 @p2 $0x0;
	p2 =	sgt.s32 s16, $0xFFF  }
0x18: {  	s16 =	smov.u32 @p2 s2;
	p2 =	sne.s32 s11, s7  }
.Ltmp1:
0x19: {  	p1 =	slt.u32 s11, $0x2;
	(pc) =	sbr.rel @!p2 .LBB1_6-.Ltmp1, $4  }
0x1a: {  	s15 =	simm.s32 @!p1 $0x2  }
0x1b: {  	s13 =	smov.u32 s10;
	p0 =	por !p0, !p0;
	_ =	swait.ge @!p1 [sflag:s15], $0x2000  }
0x1c: {  	s12 =	smov.u32 s9;
	[sflag:s15] =	ssyncset.done @!p1 $0x0;
	s9 =	smov.u32 s14  }
0x1d: {  	s11 =	sadd.s32 $0x1, s11;
	[sflag:s15] =	ssyncadd.s32 @!p1 $0xFFFFE000;
	s10 =	smov.u32 s16  }
.LBB1_1:
0x1e: {  	p1 =	sge.u32 s11, s5  }
0x1f: {  	s14 =	sand.u32 @!p1 $0x1FFFFFF, s9  }
0x20: {  	s15 =	smulhi.u32 @!p1 $0x147AE15, s14;
	_ =	sdelay $0x1  }
0x21: {  	s15 =	smul.u32 @!p1 $0xC8, s15  }
0x22: {  	s16 =	sxor.u32 @!p1 $0xFFFFFFFF, s11;
	s17 =	smul.u32 @!p1 $0xC80, s10  }
0x23: {  	s31 =	sadd.s32 $0xFFFFFFFF, s11;
	s16 =	sshll.u32 @!p1 s16, $0xD;
	s14 =	ssub.s32 @!p1 s14, s15  }
0x24: {  	s15 =	sand.u32 @!p1 $0x2000, s16;
	s16 =	sadd.s32 @!p1 s6, s17;
	s14 =	sshll.u32 @!p1 s14, $0x4  }
0x25: {  	s17 =	simm.s32 @!p1 $0x6400;
	s14 =	sadd.s32 @!p1 s14, s16;
	s16 =	simm.s32 @!p1 $0x40  }
0x26: {  	[tilespmem:s15], [sflag:$0x1] =	stream.strided.gather @!p1 [hbm4b:s14+s16], $0x2000, s17, s16, $0x38;
	[tilespmem:$0x8080] =	vst v63  }
0x27: {  	p1 =	sge.u32 s31, s5  }
.Ltmp2:
0x28: {  	_ = 	snop;
	(pc) =	sbr.rel @p1 .LBB1_5-.Ltmp2, $1  }
0x29: {  	_ =	sdelay $0x3  }
0x2a: {  	s14 =	simm.s32 $0x1  }
0x2b: {  	_ =	swait.ge [sflag:s4], $0x2000;
	s14 =	simm.s32 @!p0 $0x0  }
0x2c: {  	[sflag:s4] =	ssyncset.done $0x0;
	s15 =	sshll.u32 s14, $0xD  }
0x2d: {  	[sflag:s4] =	ssyncadd.s32 $0xFFFFE000;
	s18 =	sor.u32 $0x20, s15  }
0x2e: {  	s14 =	smul.u32 $0x8100, s14;
	v3 =	vld [tilespmem:s18+$0x10]  }
0x2f: {  	s30 =	sand.u32 $0x1, s11;
	v2 =	vld [tilespmem:s18+$0xFFFFFFF0]  }
0x30: {  	s15 =	smul.u32 $0x8100, s30;
	s14 =	sshrl.u32 s14, $0x2;
	v0 =	vld [tilespmem:s18+$0x0]  }
0x31: {  	v1 =	vld [tilespmem:s18+$0xFFFFFFE0];
	s16 =	sor.u32 $0x4000, s14  }
0x32: {  	s31 =	sshrl.u32 s15, $0x2;
	s15 =	sadd.s32 $0x0, s16  }
0x33: {  	s17 =	simm.s32 $0x4;
	s18 =	sadd.s32 $0x40, s18;
	s14 =	sor.u32 $0x4000, s31;
	[tilespmem:s15+$0x1830 ss:$0x81] =	vst.msk $0xffff, v3  }
.LBB1_3:
0x34: {  	v3 =	vld [tilespmem:s18+$0x10];
	p1 =	sne.s32 s17, $0x1FC;
	[tilespmem:s15+$0x810 ss:$0x81] =	vst.msk $0xffff, v2;
	s19 =	smov.u32 s17;
	s17 =	sadd.s32 $0x4, s17  }
.Ltmp3:
0x35: {  	v2 =	vld [tilespmem:s18+$0xFFFFFFF0];
	[tilespmem:s15+$0x1020 ss:$0x81] =	vst.msk $0xffff, v0;
	(pc) =	sbr.rel @p1 .LBB1_3-.Ltmp3, $4  }
0x36: {  	v0 =	vld [tilespmem:s18+$0x0];
	[tilespmem:s15+$0x0 ss:$0x81] =	vst.msk $0xffff, v1  }
0x37: {  	s15 =	sshra.s32 s19, $0x2;
	v1 =	vld [tilespmem:s18+$0xFFFFFFE0]  }
0x38: {  	s15 =	sadd.s32 s15, s16  }
0x39: {  	s18 =	sadd.s32 $0x40, s18;
	[tilespmem:s15+$0x1830 ss:$0x81] =	vst.msk $0xffff, v3  }
.Ltmp4:
0x3a: {  	_ = 	snop;
	(pc) =	sbr.rel .LBB1_4-.Ltmp4, $1  }
0x3b: {  	_ =	sdelay $0x3  }
.LBB1_6:
0x3c: {  	_ =	sfence.sel $0x180000  }
0x3d: {  	s2 =	simm.s32 $0x1;
	[bflag:$0x0] =	sbarrier.arrive $0xFFFF  }
0x3e: {  	s31 =	simm.s32 $0x2;
	[sflag:s2] =	ssyncpa.u1 $0x1  }
0x3f: {  	[sflag:s31] =	ssyncpa.u1 $0x1  }
0x40: {  	p0 =	sne.s32 s0, $0x0;
	_ =	strace $0x9000004A  }
0x41: {  	s0 =	sadd.s32 @!p0 $0x100000, s1;
	[bflag:$0x2] =	sbarrier.arrive $0xFFFF  }
0x42: {  	[sflag:s0] =	ssyncadd.tile.s32 @!p0 $0x1;
	_ =	shalt  }
.Lfunc_end1:
_tile_overlayer_lowered:
.L_overlay_start_2:
0x43: {  	(tag) =	ssettag $0x2  }
0x44: {  	s0 =	rddreg [dreg:$0x0];
	s2 =	stileid.u32  }
0x45: {  	s1 =	rddreg [dreg:$0x1];
	p0 =	sne.s32 s2, $0x0  }
0x46: {  	s3 =	rddreg [dreg:$0x2];
	[bflag:$0x3] =	sbarrier.arrive $0xFFFF;
	s2 =	simm.s32 @!p0 $0x1C01  }
0x47: {  	[timem:s3], [sflag:s2] =	dma.local @!p0 [hbm:s0], s1  }
0x48: {  	s0 =	simm.s32 @!p0 $0x1  }
0x49: {  	_ =	swait.ge @!p0 [sflag:s0], s1  }
0x4a: {  	s1 =	ssub.s32 @!p0 $0x0, s1;
	[sflag:s0] =	ssyncset.done @!p0 $0x0  }
0x4b: {  	[sflag:s0] =	ssyncadd.s32 @!p0 s1  }
0x4c: {  	[bflag:$0x3] =	sbarrier.arrive $0xFFFF  }
0x4d: {  	_ =	shalt  }

</sc_bundles>
